<compile_context>
chip_gen: v7x
topology: tpu7x:2x2x1
jax: 0.10.2.dev20260603
libtpu: 0.0.44.dev20260713+nightly
codegen_flags: <defaults>
</compile_context>

<pallas_src>
import functools
import math

import jax
import jax.numpy as jnp
from jax import lax
from jax.experimental import pallas as pl
from jax.experimental.pallas import tpu as pltpu
from jax.experimental.pallas import tpu_sc as plsc

N = 10000
E = 320000
F_IN = 128
HID = 32
PERIODS = 12

N_PAD = 10240
CT = 6
COLT = 128
DEGW = 128
CHUNK = 128
NSUB = 16
NBUF = 2
NROWS_B = 157
EP_B = NSUB * NROWS_B * CHUNK
NBUF_A = 4
NROWS_A = 80
EP_A = 32 * NROWS_A * CHUNK
SLICE = N_PAD // NSUB

_mesh = plsc.VectorSubcoreMesh(core_axis_name="c", subcore_axis_name="s")


@functools.partial(
    pl.kernel,
    out_type=jax.ShapeDtypeStruct((2 * N_PAD, DEGW), jnp.float32),
    mesh=_mesh,
    scratch_types=[
        pltpu.VMEM((NROWS_A, CHUNK), jnp.int32),
        pltpu.VMEM((CHUNK, DEGW), jnp.float32),
        pltpu.VMEM_SHARED((N_PAD, DEGW), jnp.float32),
    ],
)
def _deg_kernel(didx_hbm, ones_hbm, zeros_hbm, out_hbm, didx_v, ones_v, accum):
    c = lax.axis_index("c")
    s = lax.axis_index("s")
    w = c * NSUB + s
    pltpu.sync_copy(ones_hbm, ones_v)
    pltpu.sync_copy(didx_hbm.at[pl.ds(w * NROWS_A, NROWS_A)], didx_v)
    pltpu.sync_copy(zeros_hbm.at[pl.ds(s * SLICE, SLICE)],
                    accum.at[pl.ds(s * SLICE, SLICE)])
    plsc.subcore_barrier()

    def body(j, carry):
        pltpu.sync_copy(ones_v, accum.at[didx_v.at[j]], add=True)
        return carry

    lax.fori_loop(0, NROWS_A, body, 0)
    plsc.subcore_barrier()
    pltpu.sync_copy(accum.at[pl.ds(s * SLICE, SLICE)],
                    out_hbm.at[pl.ds(c * N_PAD + s * SLICE, SLICE)])





@functools.partial(
    pl.kernel,
    out_type=jax.ShapeDtypeStruct((CT * N_PAD, COLT), jnp.float32),
    mesh=_mesh,
    scratch_types=[
        pltpu.VMEM((CHUNK,), jnp.int32),
        pltpu.VMEM((CHUNK,), jnp.int32),
        pltpu.VMEM((CHUNK, COLT), jnp.float32),
        pltpu.VMEM_SHARED((N_PAD, COLT), jnp.float32),
        pltpu.SemaphoreType.DMA,
    ],
)
def _prop_kernel(sidx_hbm, didx_hbm, ghat_hbm, zeros_hbm, out_hbm,
                 sidx_v, didx_v, rows_v, accum, sem):
    c = lax.axis_index("c")
    s = lax.axis_index("s")
    for k in range(CT // 2):
        t = c * (CT // 2) + k
        pltpu.sync_copy(zeros_hbm.at[pl.ds(s * SLICE, SLICE)],
                        accum.at[pl.ds(s * SLICE, SLICE)])
        plsc.subcore_barrier()

        def body(j, carry):
            row = s * NROWS_B + j
            pltpu.sync_copy(sidx_hbm.at[t * (NSUB * NROWS_B) + row], sidx_v)
            pltpu.sync_copy(didx_hbm.at[row], didx_v)
            pltpu.async_copy(ghat_hbm.at[sidx_v], rows_v, sem).wait()
            pltpu.sync_copy(rows_v, accum.at[didx_v], add=True)
            return carry

        lax.fori_loop(0, NROWS_B, body, 0)
        plsc.subcore_barrier()
        pltpu.sync_copy(accum.at[pl.ds(s * SLICE, SLICE)],
                        out_hbm.at[pl.ds(t * N_PAD + s * SLICE, SLICE)])


_BN = 1280


def _prep_body(x_ref, d0_ref, d1_ref, wz_ref, lzw_ref, wh_ref, lhw_ref, out_ref):
    wzp = jnp.dot(wz_ref[...], lzw_ref[:HID, :], preferred_element_type=jnp.float32)
    whp = jnp.dot(wh_ref[...], lhw_ref[:HID, :], preferred_element_type=jnp.float32)
    wcat = jnp.concatenate([wzp, whp], axis=1)
    deg = d0_ref[:, 0] + d1_ref[:, 0] + 1.0
    dinv = lax.rsqrt(deg)
    for p in range(PERIODS):
        g = jnp.dot(x_ref[p], wcat, preferred_element_type=jnp.float32)
        t, half = p // 2, p % 2
        out_ref[t, :, half * 64:(half + 1) * 64] = g * dinv[:, None]


def _post_body(c0_ref, gh_ref, d0_ref, d1_ref, att_ref, bz_ref, lzw_ref,
               lzb_ref, bh_ref, lhw_ref, lhb_ref, gam_ref, bet_ref,
               wout_ref, bout_ref, out_ref):
    probs = jax.nn.softmax(att_ref[...], axis=-1)
    bzp = jnp.dot(bz_ref[...], lzw_ref[:HID, :],
                  preferred_element_type=jnp.float32) + lzb_ref[...]
    bhp = jnp.dot(bh_ref[...], lhw_ref[:HID, :],
                  preferred_element_type=jnp.float32) + lhb_ref[...]
    deg = d0_ref[:, 0] + d1_ref[:, 0] + 1.0
    dinv = lax.rsqrt(deg)[:, None]
    acc = jnp.zeros((c0_ref.shape[1], HID), jnp.float32)
    for p in range(PERIODS):
        t, half = p // 2, p % 2
        a = half * 64
        cz = (c0_ref[t, :, a:a + HID] + gh_ref[t, :, a:a + HID]) * dinv + bzp
        ch = (c0_ref[t, :, a + HID:a + 64] + gh_ref[t, :, a + HID:a + 64]) * dinv + bhp
        hp = (1.0 - jax.nn.sigmoid(cz)) * jnp.tanh(ch)
        acc = acc + probs[0:1, p:p + 1] * hp
    h = jnp.where(acc > 0, acc, 0.01 * acc)
    h = (h * (1.0 / math.sqrt(1.0 + 1e-5))) * gam_ref[...] + bet_ref[...]
    out_ref[...] = jnp.dot(h, wout_ref[...],
                           preferred_element_type=jnp.float32) + bout_ref[...]


def kernel(x, edge_index, attention, Wz, bz, LzW, Lzb, Wr, br, LrW, Lrb,
           Wh, bh, LhW, Lhb, gamma, beta, Wout, bout):
    del Wr, br, LrW, Lrb
    f32 = jnp.float32
    s = edge_index[0]
    d = edge_index[1]

    d_a = jnp.concatenate([d, jnp.full((EP_A - E,), N, jnp.int32)])
    didx_a = d_a.reshape(32 * NROWS_A, CHUNK)
    s_b = jnp.concatenate([s, jnp.zeros((EP_B - E,), jnp.int32)])
    d_b = jnp.concatenate([d, jnp.full((EP_B - E,), N, jnp.int32)])
    didx_b = d_b.reshape(NSUB * NROWS_B, CHUNK)
    offs = (jnp.arange(CT, dtype=jnp.int32) * N_PAD)[:, None, None]
    sidx_b = (s_b.reshape(NSUB * NROWS_B, CHUNK)[None] + offs
              ).reshape(CT * NSUB * NROWS_B, CHUNK)

    ones128 = jnp.ones((CHUNK, DEGW), f32)
    zeros128 = jnp.zeros((N_PAD, DEGW), f32)

    xT = jnp.pad(x.transpose(2, 0, 1), ((0, 0), (0, N_PAD - N), (0, 0)))

    degp = _deg_kernel(didx_a, ones128, zeros128)
    deg0 = degp[:N_PAD]
    deg1 = degp[N_PAD:]

    nb = N_PAD // _BN
    ghat = pl.pallas_call(
        _prep_body,
        grid=(nb,),
        in_specs=[
            pl.BlockSpec((PERIODS, _BN, F_IN), lambda i: (0, i, 0)),
            pl.BlockSpec((_BN, DEGW), lambda i: (i, 0)),
            pl.BlockSpec((_BN, DEGW), lambda i: (i, 0)),
            pl.BlockSpec((F_IN, HID), lambda i: (0, 0)),
            pl.BlockSpec((2 * HID, HID), lambda i: (0, 0)),
            pl.BlockSpec((F_IN, HID), lambda i: (0, 0)),
            pl.BlockSpec((2 * HID, HID), lambda i: (0, 0)),
        ],
        out_specs=pl.BlockSpec((CT, _BN, COLT), lambda i: (0, i, 0)),
        out_shape=jax.ShapeDtypeStruct((CT, N_PAD, COLT), f32),
    )(xT, deg0, deg1, Wz, LzW, Wh, LhW)

    c0 = _prop_kernel(sidx_b, didx_b, ghat.reshape(CT * N_PAD, COLT), zeros128)
    c0 = c0.reshape(CT, N_PAD, COLT)

    out = pl.pallas_call(
        _post_body,
        grid=(nb,),
        in_specs=[
            pl.BlockSpec((CT, _BN, COLT), lambda i: (0, i, 0)),
            pl.BlockSpec((CT, _BN, COLT), lambda i: (0, i, 0)),
            pl.BlockSpec((_BN, DEGW), lambda i: (i, 0)),
            pl.BlockSpec((_BN, DEGW), lambda i: (i, 0)),
            pl.BlockSpec((1, PERIODS), lambda i: (0, 0)),
            pl.BlockSpec((1, HID), lambda i: (0, 0)),
            pl.BlockSpec((2 * HID, HID), lambda i: (0, 0)),
            pl.BlockSpec((1, HID), lambda i: (0, 0)),
            pl.BlockSpec((1, HID), lambda i: (0, 0)),
            pl.BlockSpec((2 * HID, HID), lambda i: (0, 0)),
            pl.BlockSpec((1, HID), lambda i: (0, 0)),
            pl.BlockSpec((1, HID), lambda i: (0, 0)),
            pl.BlockSpec((1, HID), lambda i: (0, 0)),
            pl.BlockSpec((HID, PERIODS), lambda i: (0, 0)),
            pl.BlockSpec((1, PERIODS), lambda i: (0, 0)),
        ],
        out_specs=pl.BlockSpec((_BN, PERIODS), lambda i: (i, 0)),
        out_shape=jax.ShapeDtypeStruct((N_PAD, PERIODS), f32),
    )(c0, ghat, deg0, deg1, attention[None, :], bz[None, :], LzW,
      Lzb[None, :], bh[None, :], LhW, Lhb[None, :], gamma[None, :],
      beta[None, :], Wout, bout[None, :])
    return out[:N]

# --- scband reference (transcript-rebuilt; emitter-appended) ---
"""Pipeline reference for scband-temporal-gnn-39728447488572 (READ-ONLY COPY).

The authoritative reference and input builder live on the scoring server;
editing this copy changes nothing except your own understanding.
"""

import jax, jax.numpy as jnp
import numpy as np

N = 10000
E = 320000
F_IN = 128
HID = 32
PERIODS = 12

def _p(key, shape, fan_in):
    return jax.random.normal(key, shape, dtype=jnp.float32) * (1.0 / np.sqrt(fan_in))

def setup_inputs(seed: int = 0):
    key = jax.random.key(seed)
    ks = jax.random.split(key, 20)
    x = jax.random.normal(ks[0], (N, F_IN, PERIODS), dtype=jnp.float32)
    edge_index = jax.random.randint(ks[1], (2, E), 0, N, dtype=jnp.int32)
    inp = {
        "x": x,
        "edge_index": edge_index,
        "attention": jax.random.uniform(ks[2], (PERIODS,), dtype=jnp.float32),
        "Wz": _p(ks[3], (F_IN, HID), F_IN), "bz": jnp.zeros((HID,), jnp.float32),
        "LzW": _p(ks[4], (2 * HID, HID), 2 * HID), "Lzb": jnp.zeros((HID,), jnp.float32),
        "Wr": _p(ks[5], (F_IN, HID), F_IN), "br": jnp.zeros((HID,), jnp.float32),
        "LrW": _p(ks[6], (2 * HID, HID), 2 * HID), "Lrb": jnp.zeros((HID,), jnp.float32),
        "Wh": _p(ks[7], (F_IN, HID), F_IN), "bh": jnp.zeros((HID,), jnp.float32),
        "LhW": _p(ks[8], (2 * HID, HID), 2 * HID), "Lhb": jnp.zeros((HID,), jnp.float32),
        "gamma": jnp.ones((HID,), jnp.float32), "beta": jnp.zeros((HID,), jnp.float32),
        "Wout": _p(ks[9], (HID, PERIODS), HID), "bout": jnp.zeros((PERIODS,), jnp.float32),
    }
    return inp

def _gcn_conv(xw, b, s, d, n):
    # GCNConv with add_self_loops=True and symmetric normalization
    loop = jnp.arange(n, dtype=s.dtype)
    ss = jnp.concatenate([s, loop])
    dd = jnp.concatenate([d, loop])
    deg = jnp.zeros((n,), xw.dtype).at[dd].add(1.0)
    dinv = jnp.where(deg > 0, 1.0 / jnp.sqrt(deg), 0.0)
    norm = dinv[ss] * dinv[dd]
    msg = xw[ss] * norm[:, None]
    out = jnp.zeros((n, xw.shape[1]), xw.dtype).at[dd].add(msg)
    return out + b

def _tgcn_step(xp, s, d, n, Wz, bz, LzW, Lzb, Wr, br, LrW, Lrb, Wh, bh, LhW, Lhb):
    # TGCN cell with H=None (zeros), as in A3TGCN which re-calls TGCN with H unset each period
    H = jnp.zeros((n, HID), xp.dtype)
    cz = _gcn_conv(xp @ Wz, bz, s, d, n)
    Z = jax.nn.sigmoid(jnp.concatenate([cz, H], axis=1) @ LzW + Lzb)
    cr = _gcn_conv(xp @ Wr, br, s, d, n)
    R = jax.nn.sigmoid(jnp.concatenate([cr, H], axis=1) @ LrW + Lrb)
    ch = _gcn_conv(xp @ Wh, bh, s, d, n)
    Ht = jnp.tanh(jnp.concatenate([ch, H * R], axis=1) @ LhW + Lhb)
    return Z * H + (1.0 - Z) * Ht

def reference(x, edge_index, attention, Wz, bz, LzW, Lzb, Wr, br, LrW, Lrb, Wh, bh, LhW, Lhb, gamma, beta, Wout, bout):
    n = x.shape[0]
    s = edge_index[0]
    d = edge_index[1]
    probs = jax.nn.softmax(attention)
    H_accum = jnp.zeros((n, HID), x.dtype)
    for p in range(PERIODS):
        Hp = _tgcn_step(x[:, :, p], s, d, n, Wz, bz, LzW, Lzb, Wr, br, LrW, Lrb, Wh, bh, LhW, Lhb)
        H_accum = H_accum + probs[p] * Hp
    h = jnp.where(H_accum > 0, H_accum, 0.01 * H_accum)  # leaky_relu
    h = (h / jnp.sqrt(1.0 + 1e-5)) * gamma + beta  # BatchNorm1d eval mode (running_mean=0, running_var=1)
    h = h @ Wout + bout  # dropout is identity in eval
    return h

if __name__ == "__main__":
    import jax
    _d = setup_inputs()
    print(jax.jit(kernel)(*tuple(_d.values())))

</pallas_src>

<mosaic_0001>
#map = affine_map<(d0, d1) -> (0, 0)>
module attributes {stable_mosaic.version = 14 : i64} {
  func.func @_prop_kernel(%arg0: i32, %arg1: i32, %arg2: memref<15072x128xi32, #tpu.memory_space<hbm>>, %arg3: memref<2512x128xi32, #tpu.memory_space<hbm>>, %arg4: memref<61440x128xf32, #tpu.memory_space<hbm>>, %arg5: memref<10240x128xf32, #tpu.memory_space<hbm>>, %arg6: memref<61440x128xf32, #tpu.memory_space<hbm>>, %arg7: memref<128xi32, #tpu.memory_space<vmem>>, %arg8: memref<128xi32, #tpu.memory_space<vmem>>, %arg9: memref<128x128xf32, #tpu.memory_space<vmem>>, %arg10: memref<10240x128xf32, #tpu.memory_space<vmem_shared>>, %arg11: memref<!tpu.dma_semaphore, #tpu.memory_space<semaphore_mem>>) attributes {dimension_semantics = [#tpu.dimension_semantics<core_parallel>, #tpu.dimension_semantics<subcore_parallel>], iteration_bounds = array<i64: 2, 16>, scalar_prefetch = 0 : i64, scratch_operands = 5 : i64, tpu.core_type = #tpu.core_type<sc_vector_subcore>, window_params = [{transform_indices = #map}, {transform_indices = #map}, {transform_indices = #map}, {transform_indices = #map}, {transform_indices = #map}]} {
    %mul3A = arith.constant 3 : i32
    %mul3A_0 = arith.muli %arg0, %mul3A : i32
    %add3A = arith.constant 0 : i32
    %add3A_1 = arith.addi %mul3A_0, %add3A : i32
    %mul3A_2 = arith.constant 640 : i32
    %mul3A_3 = arith.muli %arg1, %mul3A_2 : i32
    %mul3A_4 = arith.constant 640 : i32
    %mul3A_5 = arith.muli %arg1, %mul3A_4 : i32
    "tpu.region"() ({
      %run_scoped3A = tpu.sem_alloc : memref<!tpu.dma_semaphore, #tpu.memory_space<semaphore_mem>>
      %dma_start3A = arith.constant 0 : i32
      %dma_start3A_65 = tpu.memref_slice %arg10[%mul3A_5, %dma_start3A] : memref<10240x128xf32, #tpu.memory_space<vmem_shared>> -> memref<640x128xf32, #tpu.memory_space<vmem_shared>>
      %dma_start3A_66 = arith.constant 0 : i32
      %dma_start3A_67 = tpu.memref_slice %arg5[%mul3A_3, %dma_start3A_66] : memref<10240x128xf32, #tpu.memory_space<hbm>> -> memref<640x128xf32, #tpu.memory_space<hbm>>
      tpu.enqueue_dma source(%dma_start3A_67 : memref<640x128xf32, #tpu.memory_space<hbm>>) target(%dma_start3A_65 : memref<640x128xf32, #tpu.memory_space<vmem_shared>>) target_semaphore(%run_scoped3A : memref<!tpu.dma_semaphore, #tpu.memory_space<semaphore_mem>>)
      %dma_wait3A = arith.constant 0 : i32
      %dma_wait3A_68 = tpu.memref_slice %arg10[%mul3A_5, %dma_wait3A] : memref<10240x128xf32, #tpu.memory_space<vmem_shared>> -> memref<640x128xf32, #tpu.memory_space<vmem_shared>>
      %dma_wait3A_69 = arith.constant 0 : i32
      %dma_wait3A_70 = tpu.memref_slice %arg5[%mul3A_3, %dma_wait3A_69] : memref<10240x128xf32, #tpu.memory_space<hbm>> -> memref<640x128xf32, #tpu.memory_space<hbm>>
      tpu.wait_dma2 semaphore(%run_scoped3A : memref<!tpu.dma_semaphore, #tpu.memory_space<semaphore_mem>>) src(%dma_wait3A_70 : memref<640x128xf32, #tpu.memory_space<hbm>>) dst(%dma_wait3A_68 : memref<640x128xf32, #tpu.memory_space<vmem_shared>>)
      tpu.yield
    }) : () -> ()
    %barrier3A = arith.constant 0 : index
    tpu.barrier barrier_id(%barrier3A)
    %scan3A = arith.constant 0 : i32
    %scan3A_6 = arith.constant 0 : i32
    %scan3A_7 = arith.constant 157 : i32
    %scan3A_8 = arith.addi %scan3A_6, %scan3A_7 : i32
    %scan3A_9 = arith.constant 1 : i32
    scf.for %scan3A_65 = %scan3A_6 to %scan3A_8 step %scan3A_9  : i32 {
      %mul3A_66 = arith.constant 157 : i32
      %mul3A_67 = arith.muli %arg1, %mul3A_66 : i32
      %add3A_68 = arith.addi %mul3A_67, %scan3A_65 : i32
      %mul3A_69 = arith.constant 2512 : i32
      %mul3A_70 = arith.muli %add3A_1, %mul3A_69 : i32
      %add3A_71 = arith.addi %mul3A_70, %add3A_68 : i32
      "tpu.region"() ({
        %run_scoped3A = tpu.sem_alloc : memref<!tpu.dma_semaphore, #tpu.memory_space<semaphore_mem>>
        %dma_start3A_76 = arith.constant 0 : i32
        %dma_start3A_77 = tpu.memref_slice %arg2[%add3A_71, %dma_start3A_76] : memref<15072x128xi32, #tpu.memory_space<hbm>> -> memref<1x128xi32, #tpu.memory_space<hbm>>
        %dma_start3A_78 = tpu.memref_squeeze %dma_start3A_77 : memref<1x128xi32, #tpu.memory_space<hbm>> -> memref<128xi32, #tpu.memory_space<hbm>>
        %dma_start3A_79 = arith.constant 0 : i32
        %dma_start3A_80 = tpu.memref_slice %arg2[%add3A_71, %dma_start3A_79] : memref<15072x128xi32, #tpu.memory_space<hbm>> -> memref<1x128xi32, #tpu.memory_space<hbm>>
        %dma_start3A_81 = tpu.memref_squeeze %dma_start3A_80 : memref<1x128xi32, #tpu.memory_space<hbm>> -> memref<128xi32, #tpu.memory_space<hbm>>
        tpu.enqueue_dma source(%dma_start3A_81 : memref<128xi32, #tpu.memory_space<hbm>>) target(%arg7 : memref<128xi32, #tpu.memory_space<vmem>>) target_semaphore(%run_scoped3A : memref<!tpu.dma_semaphore, #tpu.memory_space<semaphore_mem>>)
        %dma_wait3A_82 = arith.constant 0 : i32
        %dma_wait3A_83 = tpu.memref_slice %arg2[%add3A_71, %dma_wait3A_82] : memref<15072x128xi32, #tpu.memory_space<hbm>> -> memref<1x128xi32, #tpu.memory_space<hbm>>
        %dma_wait3A_84 = tpu.memref_squeeze %dma_wait3A_83 : memref<1x128xi32, #tpu.memory_space<hbm>> -> memref<128xi32, #tpu.memory_space<hbm>>
        %dma_wait3A_85 = arith.constant 0 : i32
        %dma_wait3A_86 = tpu.memref_slice %arg2[%add3A_71, %dma_wait3A_85] : memref<15072x128xi32, #tpu.memory_space<hbm>> -> memref<1x128xi32, #tpu.memory_space<hbm>>
        %dma_wait3A_87 = tpu.memref_squeeze %dma_wait3A_86 : memref<1x128xi32, #tpu.memory_space<hbm>> -> memref<128xi32, #tpu.memory_space<hbm>>
        tpu.wait_dma2 semaphore(%run_scoped3A : memref<!tpu.dma_semaphore, #tpu.memory_space<semaphore_mem>>) src(%dma_wait3A_87 : memref<128xi32, #tpu.memory_space<hbm>>) dst(%arg7 : memref<128xi32, #tpu.memory_space<vmem>>)
        tpu.yield
      }) : () -> ()
      "tpu.region"() ({
        %run_scoped3A = tpu.sem_alloc : memref<!tpu.dma_semaphore, #tpu.memory_space<semaphore_mem>>
        %dma_start3A_76 = arith.constant 0 : i32
        %dma_start3A_77 = tpu.memref_slice %arg3[%add3A_68, %dma_start3A_76] : memref<2512x128xi32, #tpu.memory_space<hbm>> -> memref<1x128xi32, #tpu.memory_space<hbm>>
        %dma_start3A_78 = tpu.memref_squeeze %dma_start3A_77 : memref<1x128xi32, #tpu.memory_space<hbm>> -> memref<128xi32, #tpu.memory_space<hbm>>
        %dma_start3A_79 = arith.constant 0 : i32
        %dma_start3A_80 = tpu.memref_slice %arg3[%add3A_68, %dma_start3A_79] : memref<2512x128xi32, #tpu.memory_space<hbm>> -> memref<1x128xi32, #tpu.memory_space<hbm>>
        %dma_start3A_81 = tpu.memref_squeeze %dma_start3A_80 : memref<1x128xi32, #tpu.memory_space<hbm>> -> memref<128xi32, #tpu.memory_space<hbm>>
        tpu.enqueue_dma source(%dma_start3A_81 : memref<128xi32, #tpu.memory_space<hbm>>) target(%arg8 : memref<128xi32, #tpu.memory_space<vmem>>) target_semaphore(%run_scoped3A : memref<!tpu.dma_semaphore, #tpu.memory_space<semaphore_mem>>)
        %dma_wait3A_82 = arith.constant 0 : i32
        %dma_wait3A_83 = tpu.memref_slice %arg3[%add3A_68, %dma_wait3A_82] : memref<2512x128xi32, #tpu.memory_space<hbm>> -> memref<1x128xi32, #tpu.memory_space<hbm>>
        %dma_wait3A_84 = tpu.memref_squeeze %dma_wait3A_83 : memref<1x128xi32, #tpu.memory_space<hbm>> -> memref<128xi32, #tpu.memory_space<hbm>>
        %dma_wait3A_85 = arith.constant 0 : i32
        %dma_wait3A_86 = tpu.memref_slice %arg3[%add3A_68, %dma_wait3A_85] : memref<2512x128xi32, #tpu.memory_space<hbm>> -> memref<1x128xi32, #tpu.memory_space<hbm>>
        %dma_wait3A_87 = tpu.memref_squeeze %dma_wait3A_86 : memref<1x128xi32, #tpu.memory_space<hbm>> -> memref<128xi32, #tpu.memory_space<hbm>>
        tpu.wait_dma2 semaphore(%run_scoped3A : memref<!tpu.dma_semaphore, #tpu.memory_space<semaphore_mem>>) src(%dma_wait3A_87 : memref<128xi32, #tpu.memory_space<hbm>>) dst(%arg8 : memref<128xi32, #tpu.memory_space<vmem>>)
        tpu.yield
      }) : () -> ()
      %dma_start3A = arith.constant 0 : i32
      %dma_start3A_72 = arith.constant 0 : i32
      %dma_start3A_73 = tpu.memref_slice %arg4[%dma_start3A, %dma_start3A_72] : memref<61440x128xf32, #tpu.memory_space<hbm>> -> memref<61440x128xf32, #tpu.memory_space<hbm>>
      tpu.enqueue_indirect_dma source(%dma_start3A_73 : memref<61440x128xf32, #tpu.memory_space<hbm>>) target(%arg9 : memref<128x128xf32, #tpu.memory_space<vmem>>) offsets(%arg7 : memref<128xi32, #tpu.memory_space<vmem>>) semaphore(%arg11 : memref<!tpu.dma_semaphore, #tpu.memory_space<semaphore_mem>>)
      %dma_wait3A = arith.constant 0 : i32
      %dma_wait3A_74 = arith.constant 0 : i32
      %dma_wait3A_75 = tpu.memref_slice %arg4[%dma_wait3A, %dma_wait3A_74] : memref<61440x128xf32, #tpu.memory_space<hbm>> -> memref<61440x128xf32, #tpu.memory_space<hbm>>
      tpu.wait_indirect_dma semaphore(%arg11 : memref<!tpu.dma_semaphore, #tpu.memory_space<semaphore_mem>>) src(%dma_wait3A_75 : memref<61440x128xf32, #tpu.memory_space<hbm>>) dst(%arg9 : memref<128x128xf32, #tpu.memory_space<vmem>>)
      "tpu.region"() ({
        %run_scoped3A = tpu.sem_alloc : memref<!tpu.dma_semaphore, #tpu.memory_space<semaphore_mem>>
        %dma_start3A_76 = arith.constant 0 : i32
        %dma_start3A_77 = arith.constant 0 : i32
        %dma_start3A_78 = tpu.memref_slice %arg10[%dma_start3A_76, %dma_start3A_77] : memref<10240x128xf32, #tpu.memory_space<vmem_shared>> -> memref<10240x128xf32, #tpu.memory_space<vmem_shared>>
        tpu.enqueue_indirect_dma source(%arg9 : memref<128x128xf32, #tpu.memory_space<vmem>>) target(%dma_start3A_78 : memref<10240x128xf32, #tpu.memory_space<vmem_shared>>) offsets(%arg8 : memref<128xi32, #tpu.memory_space<vmem>>) semaphore(%run_scoped3A : memref<!tpu.dma_semaphore, #tpu.memory_space<semaphore_mem>>) {add = true}
        %dma_wait3A_79 = arith.constant 0 : i32
        %dma_wait3A_80 = arith.constant 0 : i32
        %dma_wait3A_81 = tpu.memref_slice %arg10[%dma_wait3A_79, %dma_wait3A_80] : memref<10240x128xf32, #tpu.memory_space<vmem_shared>> -> memref<10240x128xf32, #tpu.memory_space<vmem_shared>>
        tpu.wait_indirect_dma semaphore(%run_scoped3A : memref<!tpu.dma_semaphore, #tpu.memory_space<semaphore_mem>>) src(%arg9 : memref<128x128xf32, #tpu.memory_space<vmem>>) dst(%dma_wait3A_81 : memref<10240x128xf32, #tpu.memory_space<vmem_shared>>)
        tpu.yield
      }) : () -> ()
    }
    %scan3A_10 = arith.constant 157 : i32
    %barrier3A_11 = arith.constant 0 : index
    tpu.barrier barrier_id(%barrier3A_11)
    %mul3A_12 = arith.constant 640 : i32
    %mul3A_13 = arith.muli %arg1, %mul3A_12 : i32
    %mul3A_14 = arith.constant 10240 : i32
    %mul3A_15 = arith.muli %add3A_1, %mul3A_14 : i32
    %mul3A_16 = arith.constant 640 : i32
    %mul3A_17 = arith.muli %arg1, %mul3A_16 : i32
    %add3A_18 = arith.addi %mul3A_15, %mul3A_17 : i32
    "tpu.region"() ({
      %run_scoped3A = tpu.sem_alloc : memref<!tpu.dma_semaphore, #tpu.memory_space<semaphore_mem>>
      %dma_start3A = arith.constant 0 : i32
      %dma_start3A_65 = tpu.memref_slice %arg6[%add3A_18, %dma_start3A] : memref<61440x128xf32, #tpu.memory_space<hbm>> -> memref<640x128xf32, #tpu.memory_space<hbm>>
      %dma_start3A_66 = arith.constant 0 : i32
      %dma_start3A_67 = tpu.memref_slice %arg10[%mul3A_13, %dma_start3A_66] : memref<10240x128xf32, #tpu.memory_space<vmem_shared>> -> memref<640x128xf32, #tpu.memory_space<vmem_shared>>
      tpu.enqueue_dma source(%dma_start3A_67 : memref<640x128xf32, #tpu.memory_space<vmem_shared>>) target(%dma_start3A_65 : memref<640x128xf32, #tpu.memory_space<hbm>>) target_semaphore(%run_scoped3A : memref<!tpu.dma_semaphore, #tpu.memory_space<semaphore_mem>>)
      %dma_wait3A = arith.constant 0 : i32
      %dma_wait3A_68 = tpu.memref_slice %arg6[%add3A_18, %dma_wait3A] : memref<61440x128xf32, #tpu.memory_space<hbm>> -> memref<640x128xf32, #tpu.memory_space<hbm>>
      %dma_wait3A_69 = arith.constant 0 : i32
      %dma_wait3A_70 = tpu.memref_slice %arg10[%mul3A_13, %dma_wait3A_69] : memref<10240x128xf32, #tpu.memory_space<vmem_shared>> -> memref<640x128xf32, #tpu.memory_space<vmem_shared>>
      tpu.wait_dma2 semaphore(%run_scoped3A : memref<!tpu.dma_semaphore, #tpu.memory_space<semaphore_mem>>) src(%dma_wait3A_70 : memref<640x128xf32, #tpu.memory_space<vmem_shared>>) dst(%dma_wait3A_68 : memref<640x128xf32, #tpu.memory_space<hbm>>)
      tpu.yield
    }) : () -> ()
    %mul3A_19 = arith.constant 3 : i32
    %mul3A_20 = arith.muli %arg0, %mul3A_19 : i32
    %add3A_21 = arith.constant 1 : i32
    %add3A_22 = arith.addi %mul3A_20, %add3A_21 : i32
    %mul3A_23 = arith.constant 640 : i32
    %mul3A_24 = arith.muli %arg1, %mul3A_23 : i32
    %mul3A_25 = arith.constant 640 : i32
    %mul3A_26 = arith.muli %arg1, %mul3A_25 : i32
    "tpu.region"() ({
      %run_scoped3A = tpu.sem_alloc : memref<!tpu.dma_semaphore, #tpu.memory_space<semaphore_mem>>
      %dma_start3A = arith.constant 0 : i32
      %dma_start3A_65 = tpu.memref_slice %arg10[%mul3A_26, %dma_start3A] : memref<10240x128xf32, #tpu.memory_space<vmem_shared>> -> memref<640x128xf32, #tpu.memory_space<vmem_shared>>
      %dma_start3A_66 = arith.constant 0 : i32
      %dma_start3A_67 = tpu.memref_slice %arg5[%mul3A_24, %dma_start3A_66] : memref<10240x128xf32, #tpu.memory_space<hbm>> -> memref<640x128xf32, #tpu.memory_space<hbm>>
      tpu.enqueue_dma source(%dma_start3A_67 : memref<640x128xf32, #tpu.memory_space<hbm>>) target(%dma_start3A_65 : memref<640x128xf32, #tpu.memory_space<vmem_shared>>) target_semaphore(%run_scoped3A : memref<!tpu.dma_semaphore, #tpu.memory_space<semaphore_mem>>)
      %dma_wait3A = arith.constant 0 : i32
      %dma_wait3A_68 = tpu.memref_slice %arg10[%mul3A_26, %dma_wait3A] : memref<10240x128xf32, #tpu.memory_space<vmem_shared>> -> memref<640x128xf32, #tpu.memory_space<vmem_shared>>
      %dma_wait3A_69 = arith.constant 0 : i32
      %dma_wait3A_70 = tpu.memref_slice %arg5[%mul3A_24, %dma_wait3A_69] : memref<10240x128xf32, #tpu.memory_space<hbm>> -> memref<640x128xf32, #tpu.memory_space<hbm>>
      tpu.wait_dma2 semaphore(%run_scoped3A : memref<!tpu.dma_semaphore, #tpu.memory_space<semaphore_mem>>) src(%dma_wait3A_70 : memref<640x128xf32, #tpu.memory_space<hbm>>) dst(%dma_wait3A_68 : memref<640x128xf32, #tpu.memory_space<vmem_shared>>)
      tpu.yield
    }) : () -> ()
    %barrier3A_27 = arith.constant 0 : index
    tpu.barrier barrier_id(%barrier3A_27)
    %scan3A_28 = arith.constant 0 : i32
    %scan3A_29 = arith.constant 0 : i32
    %scan3A_30 = arith.constant 157 : i32
    %scan3A_31 = arith.addi %scan3A_29, %scan3A_30 : i32
    %scan3A_32 = arith.constant 1 : i32
    scf.for %scan3A_65 = %scan3A_29 to %scan3A_31 step %scan3A_32  : i32 {
      %mul3A_66 = arith.constant 157 : i32
      %mul3A_67 = arith.muli %arg1, %mul3A_66 : i32
      %add3A_68 = arith.addi %mul3A_67, %scan3A_65 : i32
      %mul3A_69 = arith.constant 2512 : i32
      %mul3A_70 = arith.muli %add3A_22, %mul3A_69 : i32
      %add3A_71 = arith.addi %mul3A_70, %add3A_68 : i32
      "tpu.region"() ({
        %run_scoped3A = tpu.sem_alloc : memref<!tpu.dma_semaphore, #tpu.memory_space<semaphore_mem>>
        %dma_start3A_76 = arith.constant 0 : i32
        %dma_start3A_77 = tpu.memref_slice %arg2[%add3A_71, %dma_start3A_76] : memref<15072x128xi32, #tpu.memory_space<hbm>> -> memref<1x128xi32, #tpu.memory_space<hbm>>
        %dma_start3A_78 = tpu.memref_squeeze %dma_start3A_77 : memref<1x128xi32, #tpu.memory_space<hbm>> -> memref<128xi32, #tpu.memory_space<hbm>>
        %dma_start3A_79 = arith.constant 0 : i32
        %dma_start3A_80 = tpu.memref_slice %arg2[%add3A_71, %dma_start3A_79] : memref<15072x128xi32, #tpu.memory_space<hbm>> -> memref<1x128xi32, #tpu.memory_space<hbm>>
        %dma_start3A_81 = tpu.memref_squeeze %dma_start3A_80 : memref<1x128xi32, #tpu.memory_space<hbm>> -> memref<128xi32, #tpu.memory_space<hbm>>
        tpu.enqueue_dma source(%dma_start3A_81 : memref<128xi32, #tpu.memory_space<hbm>>) target(%arg7 : memref<128xi32, #tpu.memory_space<vmem>>) target_semaphore(%run_scoped3A : memref<!tpu.dma_semaphore, #tpu.memory_space<semaphore_mem>>)
        %dma_wait3A_82 = arith.constant 0 : i32
        %dma_wait3A_83 = tpu.memref_slice %arg2[%add3A_71, %dma_wait3A_82] : memref<15072x128xi32, #tpu.memory_space<hbm>> -> memref<1x128xi32, #tpu.memory_space<hbm>>
        %dma_wait3A_84 = tpu.memref_squeeze %dma_wait3A_83 : memref<1x128xi32, #tpu.memory_space<hbm>> -> memref<128xi32, #tpu.memory_space<hbm>>
        %dma_wait3A_85 = arith.constant 0 : i32
        %dma_wait3A_86 = tpu.memref_slice %arg2[%add3A_71, %dma_wait3A_85] : memref<15072x128xi32, #tpu.memory_space<hbm>> -> memref<1x128xi32, #tpu.memory_space<hbm>>
        %dma_wait3A_87 = tpu.memref_squeeze %dma_wait3A_86 : memref<1x128xi32, #tpu.memory_space<hbm>> -> memref<128xi32, #tpu.memory_space<hbm>>
        tpu.wait_dma2 semaphore(%run_scoped3A : memref<!tpu.dma_semaphore, #tpu.memory_space<semaphore_mem>>) src(%dma_wait3A_87 : memref<128xi32, #tpu.memory_space<hbm>>) dst(%arg7 : memref<128xi32, #tpu.memory_space<vmem>>)
        tpu.yield
      }) : () -> ()
      "tpu.region"() ({
        %run_scoped3A = tpu.sem_alloc : memref<!tpu.dma_semaphore, #tpu.memory_space<semaphore_mem>>
        %dma_start3A_76 = arith.constant 0 : i32
        %dma_start3A_77 = tpu.memref_slice %arg3[%add3A_68, %dma_start3A_76] : memref<2512x128xi32, #tpu.memory_space<hbm>> -> memref<1x128xi32, #tpu.memory_space<hbm>>
        %dma_start3A_78 = tpu.memref_squeeze %dma_start3A_77 : memref<1x128xi32, #tpu.memory_space<hbm>> -> memref<128xi32, #tpu.memory_space<hbm>>
        %dma_start3A_79 = arith.constant 0 : i32
        %dma_start3A_80 = tpu.memref_slice %arg3[%add3A_68, %dma_start3A_79] : memref<2512x128xi32, #tpu.memory_space<hbm>> -> memref<1x128xi32, #tpu.memory_space<hbm>>
        %dma_start3A_81 = tpu.memref_squeeze %dma_start3A_80 : memref<1x128xi32, #tpu.memory_space<hbm>> -> memref<128xi32, #tpu.memory_space<hbm>>
        tpu.enqueue_dma source(%dma_start3A_81 : memref<128xi32, #tpu.memory_space<hbm>>) target(%arg8 : memref<128xi32, #tpu.memory_space<vmem>>) target_semaphore(%run_scoped3A : memref<!tpu.dma_semaphore, #tpu.memory_space<semaphore_mem>>)
        %dma_wait3A_82 = arith.constant 0 : i32
        %dma_wait3A_83 = tpu.memref_slice %arg3[%add3A_68, %dma_wait3A_82] : memref<2512x128xi32, #tpu.memory_space<hbm>> -> memref<1x128xi32, #tpu.memory_space<hbm>>
        %dma_wait3A_84 = tpu.memref_squeeze %dma_wait3A_83 : memref<1x128xi32, #tpu.memory_space<hbm>> -> memref<128xi32, #tpu.memory_space<hbm>>
        %dma_wait3A_85 = arith.constant 0 : i32
        %dma_wait3A_86 = tpu.memref_slice %arg3[%add3A_68, %dma_wait3A_85] : memref<2512x128xi32, #tpu.memory_space<hbm>> -> memref<1x128xi32, #tpu.memory_space<hbm>>
        %dma_wait3A_87 = tpu.memref_squeeze %dma_wait3A_86 : memref<1x128xi32, #tpu.memory_space<hbm>> -> memref<128xi32, #tpu.memory_space<hbm>>
        tpu.wait_dma2 semaphore(%run_scoped3A : memref<!tpu.dma_semaphore, #tpu.memory_space<semaphore_mem>>) src(%dma_wait3A_87 : memref<128xi32, #tpu.memory_space<hbm>>) dst(%arg8 : memref<128xi32, #tpu.memory_space<vmem>>)
        tpu.yield
      }) : () -> ()
      %dma_start3A = arith.constant 0 : i32
      %dma_start3A_72 = arith.constant 0 : i32
      %dma_start3A_73 = tpu.memref_slice %arg4[%dma_start3A, %dma_start3A_72] : memref<61440x128xf32, #tpu.memory_space<hbm>> -> memref<61440x128xf32, #tpu.memory_space<hbm>>
      tpu.enqueue_indirect_dma source(%dma_start3A_73 : memref<61440x128xf32, #tpu.memory_space<hbm>>) target(%arg9 : memref<128x128xf32, #tpu.memory_space<vmem>>) offsets(%arg7 : memref<128xi32, #tpu.memory_space<vmem>>) semaphore(%arg11 : memref<!tpu.dma_semaphore, #tpu.memory_space<semaphore_mem>>)
      %dma_wait3A = arith.constant 0 : i32
      %dma_wait3A_74 = arith.constant 0 : i32
      %dma_wait3A_75 = tpu.memref_slice %arg4[%dma_wait3A, %dma_wait3A_74] : memref<61440x128xf32, #tpu.memory_space<hbm>> -> memref<61440x128xf32, #tpu.memory_space<hbm>>
      tpu.wait_indirect_dma semaphore(%arg11 : memref<!tpu.dma_semaphore, #tpu.memory_space<semaphore_mem>>) src(%dma_wait3A_75 : memref<61440x128xf32, #tpu.memory_space<hbm>>) dst(%arg9 : memref<128x128xf32, #tpu.memory_space<vmem>>)
      "tpu.region"() ({
        %run_scoped3A = tpu.sem_alloc : memref<!tpu.dma_semaphore, #tpu.memory_space<semaphore_mem>>
        %dma_start3A_76 = arith.constant 0 : i32
        %dma_start3A_77 = arith.constant 0 : i32
        %dma_start3A_78 = tpu.memref_slice %arg10[%dma_start3A_76, %dma_start3A_77] : memref<10240x128xf32, #tpu.memory_space<vmem_shared>> -> memref<10240x128xf32, #tpu.memory_space<vmem_shared>>
        tpu.enqueue_indirect_dma source(%arg9 : memref<128x128xf32, #tpu.memory_space<vmem>>) target(%dma_start3A_78 : memref<10240x128xf32, #tpu.memory_space<vmem_shared>>) offsets(%arg8 : memref<128xi32, #tpu.memory_space<vmem>>) semaphore(%run_scoped3A : memref<!tpu.dma_semaphore, #tpu.memory_space<semaphore_mem>>) {add = true}
        %dma_wait3A_79 = arith.constant 0 : i32
        %dma_wait3A_80 = arith.constant 0 : i32
        %dma_wait3A_81 = tpu.memref_slice %arg10[%dma_wait3A_79, %dma_wait3A_80] : memref<10240x128xf32, #tpu.memory_space<vmem_shared>> -> memref<10240x128xf32, #tpu.memory_space<vmem_shared>>
        tpu.wait_indirect_dma semaphore(%run_scoped3A : memref<!tpu.dma_semaphore, #tpu.memory_space<semaphore_mem>>) src(%arg9 : memref<128x128xf32, #tpu.memory_space<vmem>>) dst(%dma_wait3A_81 : memref<10240x128xf32, #tpu.memory_space<vmem_shared>>)
        tpu.yield
      }) : () -> ()
    }
    %scan3A_33 = arith.constant 157 : i32
    %barrier3A_34 = arith.constant 0 : index
    tpu.barrier barrier_id(%barrier3A_34)
    %mul3A_35 = arith.constant 640 : i32
    %mul3A_36 = arith.muli %arg1, %mul3A_35 : i32
    %mul3A_37 = arith.constant 10240 : i32
    %mul3A_38 = arith.muli %add3A_22, %mul3A_37 : i32
    %mul3A_39 = arith.constant 640 : i32
    %mul3A_40 = arith.muli %arg1, %mul3A_39 : i32
    %add3A_41 = arith.addi %mul3A_38, %mul3A_40 : i32
    "tpu.region"() ({
      %run_scoped3A = tpu.sem_alloc : memref<!tpu.dma_semaphore, #tpu.memory_space<semaphore_mem>>
      %dma_start3A = arith.constant 0 : i32
      %dma_start3A_65 = tpu.memref_slice %arg6[%add3A_41, %dma_start3A] : memref<61440x128xf32, #tpu.memory_space<hbm>> -> memref<640x128xf32, #tpu.memory_space<hbm>>
      %dma_start3A_66 = arith.constant 0 : i32
      %dma_start3A_67 = tpu.memref_slice %arg10[%mul3A_36, %dma_start3A_66] : memref<10240x128xf32, #tpu.memory_space<vmem_shared>> -> memref<640x128xf32, #tpu.memory_space<vmem_shared>>
      tpu.enqueue_dma source(%dma_start3A_67 : memref<640x128xf32, #tpu.memory_space<vmem_shared>>) target(%dma_start3A_65 : memref<640x128xf32, #tpu.memory_space<hbm>>) target_semaphore(%run_scoped3A : memref<!tpu.dma_semaphore, #tpu.memory_space<semaphore_mem>>)
      %dma_wait3A = arith.constant 0 : i32
      %dma_wait3A_68 = tpu.memref_slice %arg6[%add3A_41, %dma_wait3A] : memref<61440x128xf32, #tpu.memory_space<hbm>> -> memref<640x128xf32, #tpu.memory_space<hbm>>
      %dma_wait3A_69 = arith.constant 0 : i32
      %dma_wait3A_70 = tpu.memref_slice %arg10[%mul3A_36, %dma_wait3A_69] : memref<10240x128xf32, #tpu.memory_space<vmem_shared>> -> memref<640x128xf32, #tpu.memory_space<vmem_shared>>
      tpu.wait_dma2 semaphore(%run_scoped3A : memref<!tpu.dma_semaphore, #tpu.memory_space<semaphore_mem>>) src(%dma_wait3A_70 : memref<640x128xf32, #tpu.memory_space<vmem_shared>>) dst(%dma_wait3A_68 : memref<640x128xf32, #tpu.memory_space<hbm>>)
      tpu.yield
    }) : () -> ()
    %mul3A_42 = arith.constant 3 : i32
    %mul3A_43 = arith.muli %arg0, %mul3A_42 : i32
    %add3A_44 = arith.constant 2 : i32
    %add3A_45 = arith.addi %mul3A_43, %add3A_44 : i32
    %mul3A_46 = arith.constant 640 : i32
    %mul3A_47 = arith.muli %arg1, %mul3A_46 : i32
    %mul3A_48 = arith.constant 640 : i32
    %mul3A_49 = arith.muli %arg1, %mul3A_48 : i32
    "tpu.region"() ({
      %run_scoped3A = tpu.sem_alloc : memref<!tpu.dma_semaphore, #tpu.memory_space<semaphore_mem>>
      %dma_start3A = arith.constant 0 : i32
      %dma_start3A_65 = tpu.memref_slice %arg10[%mul3A_49, %dma_start3A] : memref<10240x128xf32, #tpu.memory_space<vmem_shared>> -> memref<640x128xf32, #tpu.memory_space<vmem_shared>>
      %dma_start3A_66 = arith.constant 0 : i32
      %dma_start3A_67 = tpu.memref_slice %arg5[%mul3A_47, %dma_start3A_66] : memref<10240x128xf32, #tpu.memory_space<hbm>> -> memref<640x128xf32, #tpu.memory_space<hbm>>
      tpu.enqueue_dma source(%dma_start3A_67 : memref<640x128xf32, #tpu.memory_space<hbm>>) target(%dma_start3A_65 : memref<640x128xf32, #tpu.memory_space<vmem_shared>>) target_semaphore(%run_scoped3A : memref<!tpu.dma_semaphore, #tpu.memory_space<semaphore_mem>>)
      %dma_wait3A = arith.constant 0 : i32
      %dma_wait3A_68 = tpu.memref_slice %arg10[%mul3A_49, %dma_wait3A] : memref<10240x128xf32, #tpu.memory_space<vmem_shared>> -> memref<640x128xf32, #tpu.memory_space<vmem_shared>>
      %dma_wait3A_69 = arith.constant 0 : i32
      %dma_wait3A_70 = tpu.memref_slice %arg5[%mul3A_47, %dma_wait3A_69] : memref<10240x128xf32, #tpu.memory_space<hbm>> -> memref<640x128xf32, #tpu.memory_space<hbm>>
      tpu.wait_dma2 semaphore(%run_scoped3A : memref<!tpu.dma_semaphore, #tpu.memory_space<semaphore_mem>>) src(%dma_wait3A_70 : memref<640x128xf32, #tpu.memory_space<hbm>>) dst(%dma_wait3A_68 : memref<640x128xf32, #tpu.memory_space<vmem_shared>>)
      tpu.yield
    }) : () -> ()
    %barrier3A_50 = arith.constant 0 : index
    tpu.barrier barrier_id(%barrier3A_50)
    %scan3A_51 = arith.constant 0 : i32
    %scan3A_52 = arith.constant 0 : i32
    %scan3A_53 = arith.constant 157 : i32
    %scan3A_54 = arith.addi %scan3A_52, %scan3A_53 : i32
    %scan3A_55 = arith.constant 1 : i32
    scf.for %scan3A_65 = %scan3A_52 to %scan3A_54 step %scan3A_55  : i32 {
      %mul3A_66 = arith.constant 157 : i32
      %mul3A_67 = arith.muli %arg1, %mul3A_66 : i32
      %add3A_68 = arith.addi %mul3A_67, %scan3A_65 : i32
      %mul3A_69 = arith.constant 2512 : i32
      %mul3A_70 = arith.muli %add3A_45, %mul3A_69 : i32
      %add3A_71 = arith.addi %mul3A_70, %add3A_68 : i32
      "tpu.region"() ({
        %run_scoped3A = tpu.sem_alloc : memref<!tpu.dma_semaphore, #tpu.memory_space<semaphore_mem>>
        %dma_start3A_76 = arith.constant 0 : i32
        %dma_start3A_77 = tpu.memref_slice %arg2[%add3A_71, %dma_start3A_76] : memref<15072x128xi32, #tpu.memory_space<hbm>> -> memref<1x128xi32, #tpu.memory_space<hbm>>
        %dma_start3A_78 = tpu.memref_squeeze %dma_start3A_77 : memref<1x128xi32, #tpu.memory_space<hbm>> -> memref<128xi32, #tpu.memory_space<hbm>>
        %dma_start3A_79 = arith.constant 0 : i32
        %dma_start3A_80 = tpu.memref_slice %arg2[%add3A_71, %dma_start3A_79] : memref<15072x128xi32, #tpu.memory_space<hbm>> -> memref<1x128xi32, #tpu.memory_space<hbm>>
        %dma_start3A_81 = tpu.memref_squeeze %dma_start3A_80 : memref<1x128xi32, #tpu.memory_space<hbm>> -> memref<128xi32, #tpu.memory_space<hbm>>
        tpu.enqueue_dma source(%dma_start3A_81 : memref<128xi32, #tpu.memory_space<hbm>>) target(%arg7 : memref<128xi32, #tpu.memory_space<vmem>>) target_semaphore(%run_scoped3A : memref<!tpu.dma_semaphore, #tpu.memory_space<semaphore_mem>>)
        %dma_wait3A_82 = arith.constant 0 : i32
        %dma_wait3A_83 = tpu.memref_slice %arg2[%add3A_71, %dma_wait3A_82] : memref<15072x128xi32, #tpu.memory_space<hbm>> -> memref<1x128xi32, #tpu.memory_space<hbm>>
        %dma_wait3A_84 = tpu.memref_squeeze %dma_wait3A_83 : memref<1x128xi32, #tpu.memory_space<hbm>> -> memref<128xi32, #tpu.memory_space<hbm>>
        %dma_wait3A_85 = arith.constant 0 : i32
        %dma_wait3A_86 = tpu.memref_slice %arg2[%add3A_71, %dma_wait3A_85] : memref<15072x128xi32, #tpu.memory_space<hbm>> -> memref<1x128xi32, #tpu.memory_space<hbm>>
        %dma_wait3A_87 = tpu.memref_squeeze %dma_wait3A_86 : memref<1x128xi32, #tpu.memory_space<hbm>> -> memref<128xi32, #tpu.memory_space<hbm>>
        tpu.wait_dma2 semaphore(%run_scoped3A : memref<!tpu.dma_semaphore, #tpu.memory_space<semaphore_mem>>) src(%dma_wait3A_87 : memref<128xi32, #tpu.memory_space<hbm>>) dst(%arg7 : memref<128xi32, #tpu.memory_space<vmem>>)
        tpu.yield
      }) : () -> ()
      "tpu.region"() ({
        %run_scoped3A = tpu.sem_alloc : memref<!tpu.dma_semaphore, #tpu.memory_space<semaphore_mem>>
        %dma_start3A_76 = arith.constant 0 : i32
        %dma_start3A_77 = tpu.memref_slice %arg3[%add3A_68, %dma_start3A_76] : memref<2512x128xi32, #tpu.memory_space<hbm>> -> memref<1x128xi32, #tpu.memory_space<hbm>>
        %dma_start3A_78 = tpu.memref_squeeze %dma_start3A_77 : memref<1x128xi32, #tpu.memory_space<hbm>> -> memref<128xi32, #tpu.memory_space<hbm>>
        %dma_start3A_79 = arith.constant 0 : i32
        %dma_start3A_80 = tpu.memref_slice %arg3[%add3A_68, %dma_start3A_79] : memref<2512x128xi32, #tpu.memory_space<hbm>> -> memref<1x128xi32, #tpu.memory_space<hbm>>
        %dma_start3A_81 = tpu.memref_squeeze %dma_start3A_80 : memref<1x128xi32, #tpu.memory_space<hbm>> -> memref<128xi32, #tpu.memory_space<hbm>>
        tpu.enqueue_dma source(%dma_start3A_81 : memref<128xi32, #tpu.memory_space<hbm>>) target(%arg8 : memref<128xi32, #tpu.memory_space<vmem>>) target_semaphore(%run_scoped3A : memref<!tpu.dma_semaphore, #tpu.memory_space<semaphore_mem>>)
        %dma_wait3A_82 = arith.constant 0 : i32
        %dma_wait3A_83 = tpu.memref_slice %arg3[%add3A_68, %dma_wait3A_82] : memref<2512x128xi32, #tpu.memory_space<hbm>> -> memref<1x128xi32, #tpu.memory_space<hbm>>
        %dma_wait3A_84 = tpu.memref_squeeze %dma_wait3A_83 : memref<1x128xi32, #tpu.memory_space<hbm>> -> memref<128xi32, #tpu.memory_space<hbm>>
        %dma_wait3A_85 = arith.constant 0 : i32
        %dma_wait3A_86 = tpu.memref_slice %arg3[%add3A_68, %dma_wait3A_85] : memref<2512x128xi32, #tpu.memory_space<hbm>> -> memref<1x128xi32, #tpu.memory_space<hbm>>
        %dma_wait3A_87 = tpu.memref_squeeze %dma_wait3A_86 : memref<1x128xi32, #tpu.memory_space<hbm>> -> memref<128xi32, #tpu.memory_space<hbm>>
        tpu.wait_dma2 semaphore(%run_scoped3A : memref<!tpu.dma_semaphore, #tpu.memory_space<semaphore_mem>>) src(%dma_wait3A_87 : memref<128xi32, #tpu.memory_space<hbm>>) dst(%arg8 : memref<128xi32, #tpu.memory_space<vmem>>)
        tpu.yield
      }) : () -> ()
      %dma_start3A = arith.constant 0 : i32
      %dma_start3A_72 = arith.constant 0 : i32
      %dma_start3A_73 = tpu.memref_slice %arg4[%dma_start3A, %dma_start3A_72] : memref<61440x128xf32, #tpu.memory_space<hbm>> -> memref<61440x128xf32, #tpu.memory_space<hbm>>
      tpu.enqueue_indirect_dma source(%dma_start3A_73 : memref<61440x128xf32, #tpu.memory_space<hbm>>) target(%arg9 : memref<128x128xf32, #tpu.memory_space<vmem>>) offsets(%arg7 : memref<128xi32, #tpu.memory_space<vmem>>) semaphore(%arg11 : memref<!tpu.dma_semaphore, #tpu.memory_space<semaphore_mem>>)
      %dma_wait3A = arith.constant 0 : i32
      %dma_wait3A_74 = arith.constant 0 : i32
      %dma_wait3A_75 = tpu.memref_slice %arg4[%dma_wait3A, %dma_wait3A_74] : memref<61440x128xf32, #tpu.memory_space<hbm>> -> memref<61440x128xf32, #tpu.memory_space<hbm>>
      tpu.wait_indirect_dma semaphore(%arg11 : memref<!tpu.dma_semaphore, #tpu.memory_space<semaphore_mem>>) src(%dma_wait3A_75 : memref<61440x128xf32, #tpu.memory_space<hbm>>) dst(%arg9 : memref<128x128xf32, #tpu.memory_space<vmem>>)
      "tpu.region"() ({
        %run_scoped3A = tpu.sem_alloc : memref<!tpu.dma_semaphore, #tpu.memory_space<semaphore_mem>>
        %dma_start3A_76 = arith.constant 0 : i32
        %dma_start3A_77 = arith.constant 0 : i32
        %dma_start3A_78 = tpu.memref_slice %arg10[%dma_start3A_76, %dma_start3A_77] : memref<10240x128xf32, #tpu.memory_space<vmem_shared>> -> memref<10240x128xf32, #tpu.memory_space<vmem_shared>>
        tpu.enqueue_indirect_dma source(%arg9 : memref<128x128xf32, #tpu.memory_space<vmem>>) target(%dma_start3A_78 : memref<10240x128xf32, #tpu.memory_space<vmem_shared>>) offsets(%arg8 : memref<128xi32, #tpu.memory_space<vmem>>) semaphore(%run_scoped3A : memref<!tpu.dma_semaphore, #tpu.memory_space<semaphore_mem>>) {add = true}
        %dma_wait3A_79 = arith.constant 0 : i32
        %dma_wait3A_80 = arith.constant 0 : i32
        %dma_wait3A_81 = tpu.memref_slice %arg10[%dma_wait3A_79, %dma_wait3A_80] : memref<10240x128xf32, #tpu.memory_space<vmem_shared>> -> memref<10240x128xf32, #tpu.memory_space<vmem_shared>>
        tpu.wait_indirect_dma semaphore(%run_scoped3A : memref<!tpu.dma_semaphore, #tpu.memory_space<semaphore_mem>>) src(%arg9 : memref<128x128xf32, #tpu.memory_space<vmem>>) dst(%dma_wait3A_81 : memref<10240x128xf32, #tpu.memory_space<vmem_shared>>)
        tpu.yield
      }) : () -> ()
    }
    %scan3A_56 = arith.constant 157 : i32
    %barrier3A_57 = arith.constant 0 : index
    tpu.barrier barrier_id(%barrier3A_57)
    %mul3A_58 = arith.constant 640 : i32
    %mul3A_59 = arith.muli %arg1, %mul3A_58 : i32
    %mul3A_60 = arith.constant 10240 : i32
    %mul3A_61 = arith.muli %add3A_45, %mul3A_60 : i32
    %mul3A_62 = arith.constant 640 : i32
    %mul3A_63 = arith.muli %arg1, %mul3A_62 : i32
    %add3A_64 = arith.addi %mul3A_61, %mul3A_63 : i32
    "tpu.region"() ({
      %run_scoped3A = tpu.sem_alloc : memref<!tpu.dma_semaphore, #tpu.memory_space<semaphore_mem>>
      %dma_start3A = arith.constant 0 : i32
      %dma_start3A_65 = tpu.memref_slice %arg6[%add3A_64, %dma_start3A] : memref<61440x128xf32, #tpu.memory_space<hbm>> -> memref<640x128xf32, #tpu.memory_space<hbm>>
      %dma_start3A_66 = arith.constant 0 : i32
      %dma_start3A_67 = tpu.memref_slice %arg10[%mul3A_59, %dma_start3A_66] : memref<10240x128xf32, #tpu.memory_space<vmem_shared>> -> memref<640x128xf32, #tpu.memory_space<vmem_shared>>
      tpu.enqueue_dma source(%dma_start3A_67 : memref<640x128xf32, #tpu.memory_space<vmem_shared>>) target(%dma_start3A_65 : memref<640x128xf32, #tpu.memory_space<hbm>>) target_semaphore(%run_scoped3A : memref<!tpu.dma_semaphore, #tpu.memory_space<semaphore_mem>>)
      %dma_wait3A = arith.constant 0 : i32
      %dma_wait3A_68 = tpu.memref_slice %arg6[%add3A_64, %dma_wait3A] : memref<61440x128xf32, #tpu.memory_space<hbm>> -> memref<640x128xf32, #tpu.memory_space<hbm>>
      %dma_wait3A_69 = arith.constant 0 : i32
      %dma_wait3A_70 = tpu.memref_slice %arg10[%mul3A_59, %dma_wait3A_69] : memref<10240x128xf32, #tpu.memory_space<vmem_shared>> -> memref<640x128xf32, #tpu.memory_space<vmem_shared>>
      tpu.wait_dma2 semaphore(%run_scoped3A : memref<!tpu.dma_semaphore, #tpu.memory_space<semaphore_mem>>) src(%dma_wait3A_70 : memref<640x128xf32, #tpu.memory_space<vmem_shared>>) dst(%dma_wait3A_68 : memref<640x128xf32, #tpu.memory_space<hbm>>)
      tpu.yield
    }) : () -> ()
    return
  }
}

#map = affine_map<(d0, d1) -> (0, 0)>
module attributes {stable_mosaic.version = 14 : i64} {
  func.func @_deg_kernel(%arg0: i32, %arg1: i32, %arg2: memref<2560x128xi32, #tpu.memory_space<hbm>>, %arg3: memref<128x128xf32, #tpu.memory_space<hbm>>, %arg4: memref<10240x128xf32, #tpu.memory_space<hbm>>, %arg5: memref<20480x128xf32, #tpu.memory_space<hbm>>, %arg6: memref<80x128xi32, #tpu.memory_space<vmem>>, %arg7: memref<128x128xf32, #tpu.memory_space<vmem>>, %arg8: memref<10240x128xf32, #tpu.memory_space<vmem_shared>>) attributes {dimension_semantics = [#tpu.dimension_semantics<core_parallel>, #tpu.dimension_semantics<subcore_parallel>], iteration_bounds = array<i64: 2, 16>, scalar_prefetch = 0 : i64, scratch_operands = 3 : i64, tpu.core_type = #tpu.core_type<sc_vector_subcore>, window_params = [{transform_indices = #map}, {transform_indices = #map}, {transform_indices = #map}, {transform_indices = #map}]} {
    %mul3A = arith.constant 16 : i32
    %mul3A_0 = arith.muli %arg0, %mul3A : i32
    %add3A = arith.addi %mul3A_0, %arg1 : i32
    "tpu.region"() ({
      %run_scoped3A = tpu.sem_alloc : memref<!tpu.dma_semaphore, #tpu.memory_space<semaphore_mem>>
      tpu.enqueue_dma source(%arg3 : memref<128x128xf32, #tpu.memory_space<hbm>>) target(%arg7 : memref<128x128xf32, #tpu.memory_space<vmem>>) target_semaphore(%run_scoped3A : memref<!tpu.dma_semaphore, #tpu.memory_space<semaphore_mem>>)
      tpu.wait_dma2 semaphore(%run_scoped3A : memref<!tpu.dma_semaphore, #tpu.memory_space<semaphore_mem>>) src(%arg3 : memref<128x128xf32, #tpu.memory_space<hbm>>) dst(%arg7 : memref<128x128xf32, #tpu.memory_space<vmem>>)
      tpu.yield
    }) : () -> ()
    %mul3A_1 = arith.constant 80 : i32
    %mul3A_2 = arith.muli %add3A, %mul3A_1 : i32
    "tpu.region"() ({
      %run_scoped3A = tpu.sem_alloc : memref<!tpu.dma_semaphore, #tpu.memory_space<semaphore_mem>>
      %dma_start3A = arith.constant 0 : i32
      %dma_start3A_20 = tpu.memref_slice %arg2[%mul3A_2, %dma_start3A] : memref<2560x128xi32, #tpu.memory_space<hbm>> -> memref<80x128xi32, #tpu.memory_space<hbm>>
      %dma_start3A_21 = arith.constant 0 : i32
      %dma_start3A_22 = tpu.memref_slice %arg2[%mul3A_2, %dma_start3A_21] : memref<2560x128xi32, #tpu.memory_space<hbm>> -> memref<80x128xi32, #tpu.memory_space<hbm>>
      tpu.enqueue_dma source(%dma_start3A_22 : memref<80x128xi32, #tpu.memory_space<hbm>>) target(%arg6 : memref<80x128xi32, #tpu.memory_space<vmem>>) target_semaphore(%run_scoped3A : memref<!tpu.dma_semaphore, #tpu.memory_space<semaphore_mem>>)
      %dma_wait3A = arith.constant 0 : i32
      %dma_wait3A_23 = tpu.memref_slice %arg2[%mul3A_2, %dma_wait3A] : memref<2560x128xi32, #tpu.memory_space<hbm>> -> memref<80x128xi32, #tpu.memory_space<hbm>>
      %dma_wait3A_24 = arith.constant 0 : i32
      %dma_wait3A_25 = tpu.memref_slice %arg2[%mul3A_2, %dma_wait3A_24] : memref<2560x128xi32, #tpu.memory_space<hbm>> -> memref<80x128xi32, #tpu.memory_space<hbm>>
      tpu.wait_dma2 semaphore(%run_scoped3A : memref<!tpu.dma_semaphore, #tpu.memory_space<semaphore_mem>>) src(%dma_wait3A_25 : memref<80x128xi32, #tpu.memory_space<hbm>>) dst(%arg6 : memref<80x128xi32, #tpu.memory_space<vmem>>)
      tpu.yield
    }) : () -> ()
    %mul3A_3 = arith.constant 640 : i32
    %mul3A_4 = arith.muli %arg1, %mul3A_3 : i32
    %mul3A_5 = arith.constant 640 : i32
    %mul3A_6 = arith.muli %arg1, %mul3A_5 : i32
    "tpu.region"() ({
      %run_scoped3A = tpu.sem_alloc : memref<!tpu.dma_semaphore, #tpu.memory_space<semaphore_mem>>
      %dma_start3A = arith.constant 0 : i32
      %dma_start3A_20 = tpu.memref_slice %arg8[%mul3A_6, %dma_start3A] : memref<10240x128xf32, #tpu.memory_space<vmem_shared>> -> memref<640x128xf32, #tpu.memory_space<vmem_shared>>
      %dma_start3A_21 = arith.constant 0 : i32
      %dma_start3A_22 = tpu.memref_slice %arg4[%mul3A_4, %dma_start3A_21] : memref<10240x128xf32, #tpu.memory_space<hbm>> -> memref<640x128xf32, #tpu.memory_space<hbm>>
      tpu.enqueue_dma source(%dma_start3A_22 : memref<640x128xf32, #tpu.memory_space<hbm>>) target(%dma_start3A_20 : memref<640x128xf32, #tpu.memory_space<vmem_shared>>) target_semaphore(%run_scoped3A : memref<!tpu.dma_semaphore, #tpu.memory_space<semaphore_mem>>)
      %dma_wait3A = arith.constant 0 : i32
      %dma_wait3A_23 = tpu.memref_slice %arg8[%mul3A_6, %dma_wait3A] : memref<10240x128xf32, #tpu.memory_space<vmem_shared>> -> memref<640x128xf32, #tpu.memory_space<vmem_shared>>
      %dma_wait3A_24 = arith.constant 0 : i32
      %dma_wait3A_25 = tpu.memref_slice %arg4[%mul3A_4, %dma_wait3A_24] : memref<10240x128xf32, #tpu.memory_space<hbm>> -> memref<640x128xf32, #tpu.memory_space<hbm>>
      tpu.wait_dma2 semaphore(%run_scoped3A : memref<!tpu.dma_semaphore, #tpu.memory_space<semaphore_mem>>) src(%dma_wait3A_25 : memref<640x128xf32, #tpu.memory_space<hbm>>) dst(%dma_wait3A_23 : memref<640x128xf32, #tpu.memory_space<vmem_shared>>)
      tpu.yield
    }) : () -> ()
    %barrier3A = arith.constant 0 : index
    tpu.barrier barrier_id(%barrier3A)
    %scan3A = arith.constant 0 : i32
    %scan3A_7 = arith.constant 0 : i32
    %scan3A_8 = arith.constant 80 : i32
    %scan3A_9 = arith.addi %scan3A_7, %scan3A_8 : i32
    %scan3A_10 = arith.constant 1 : i32
    scf.for %scan3A_20 = %scan3A_7 to %scan3A_9 step %scan3A_10  : i32 {
      "tpu.region"() ({
        %run_scoped3A = tpu.sem_alloc : memref<!tpu.dma_semaphore, #tpu.memory_space<semaphore_mem>>
        %dma_start3A = arith.constant 0 : i32
        %dma_start3A_21 = tpu.memref_slice %arg6[%scan3A_20, %dma_start3A] : memref<80x128xi32, #tpu.memory_space<vmem>> -> memref<1x128xi32, #tpu.memory_space<vmem>>
        %dma_start3A_22 = tpu.memref_squeeze %dma_start3A_21 : memref<1x128xi32, #tpu.memory_space<vmem>> -> memref<128xi32, #tpu.memory_space<vmem>>
        %dma_start3A_23 = arith.constant 0 : i32
        %dma_start3A_24 = arith.constant 0 : i32
        %dma_start3A_25 = tpu.memref_slice %arg8[%dma_start3A_23, %dma_start3A_24] : memref<10240x128xf32, #tpu.memory_space<vmem_shared>> -> memref<10240x128xf32, #tpu.memory_space<vmem_shared>>
        tpu.enqueue_indirect_dma source(%arg7 : memref<128x128xf32, #tpu.memory_space<vmem>>) target(%dma_start3A_25 : memref<10240x128xf32, #tpu.memory_space<vmem_shared>>) offsets(%dma_start3A_22 : memref<128xi32, #tpu.memory_space<vmem>>) semaphore(%run_scoped3A : memref<!tpu.dma_semaphore, #tpu.memory_space<semaphore_mem>>) {add = true}
        %dma_wait3A = arith.constant 0 : i32
        %dma_wait3A_26 = tpu.memref_slice %arg6[%scan3A_20, %dma_wait3A] : memref<80x128xi32, #tpu.memory_space<vmem>> -> memref<1x128xi32, #tpu.memory_space<vmem>>
        %dma_wait3A_27 = tpu.memref_squeeze %dma_wait3A_26 : memref<1x128xi32, #tpu.memory_space<vmem>> -> memref<128xi32, #tpu.memory_space<vmem>>
        %dma_wait3A_28 = arith.constant 0 : i32
        %dma_wait3A_29 = arith.constant 0 : i32
        %dma_wait3A_30 = tpu.memref_slice %arg8[%dma_wait3A_28, %dma_wait3A_29] : memref<10240x128xf32, #tpu.memory_space<vmem_shared>> -> memref<10240x128xf32, #tpu.memory_space<vmem_shared>>
        tpu.wait_indirect_dma semaphore(%run_scoped3A : memref<!tpu.dma_semaphore, #tpu.memory_space<semaphore_mem>>) src(%arg7 : memref<128x128xf32, #tpu.memory_space<vmem>>) dst(%dma_wait3A_30 : memref<10240x128xf32, #tpu.memory_space<vmem_shared>>)
        tpu.yield
      }) : () -> ()
    }
    %scan3A_11 = arith.constant 80 : i32
    %barrier3A_12 = arith.constant 0 : index
    tpu.barrier barrier_id(%barrier3A_12)
    %mul3A_13 = arith.constant 640 : i32
    %mul3A_14 = arith.muli %arg1, %mul3A_13 : i32
    %mul3A_15 = arith.constant 10240 : i32
    %mul3A_16 = arith.muli %arg0, %mul3A_15 : i32
    %mul3A_17 = arith.constant 640 : i32
    %mul3A_18 = arith.muli %arg1, %mul3A_17 : i32
    %add3A_19 = arith.addi %mul3A_16, %mul3A_18 : i32
    "tpu.region"() ({
      %run_scoped3A = tpu.sem_alloc : memref<!tpu.dma_semaphore, #tpu.memory_space<semaphore_mem>>
      %dma_start3A = arith.constant 0 : i32
      %dma_start3A_20 = tpu.memref_slice %arg5[%add3A_19, %dma_start3A] : memref<20480x128xf32, #tpu.memory_space<hbm>> -> memref<640x128xf32, #tpu.memory_space<hbm>>
      %dma_start3A_21 = arith.constant 0 : i32
      %dma_start3A_22 = tpu.memref_slice %arg8[%mul3A_14, %dma_start3A_21] : memref<10240x128xf32, #tpu.memory_space<vmem_shared>> -> memref<640x128xf32, #tpu.memory_space<vmem_shared>>
      tpu.enqueue_dma source(%dma_start3A_22 : memref<640x128xf32, #tpu.memory_space<vmem_shared>>) target(%dma_start3A_20 : memref<640x128xf32, #tpu.memory_space<hbm>>) target_semaphore(%run_scoped3A : memref<!tpu.dma_semaphore, #tpu.memory_space<semaphore_mem>>)
      %dma_wait3A = arith.constant 0 : i32
      %dma_wait3A_23 = tpu.memref_slice %arg5[%add3A_19, %dma_wait3A] : memref<20480x128xf32, #tpu.memory_space<hbm>> -> memref<640x128xf32, #tpu.memory_space<hbm>>
      %dma_wait3A_24 = arith.constant 0 : i32
      %dma_wait3A_25 = tpu.memref_slice %arg8[%mul3A_14, %dma_wait3A_24] : memref<10240x128xf32, #tpu.memory_space<vmem_shared>> -> memref<640x128xf32, #tpu.memory_space<vmem_shared>>
      tpu.wait_dma2 semaphore(%run_scoped3A : memref<!tpu.dma_semaphore, #tpu.memory_space<semaphore_mem>>) src(%dma_wait3A_25 : memref<640x128xf32, #tpu.memory_space<vmem_shared>>) dst(%dma_wait3A_23 : memref<640x128xf32, #tpu.memory_space<hbm>>)
      tpu.yield
    }) : () -> ()
    return
  }
}

module attributes {stable_mosaic.version = 14 : i64} {
  func.func @_prep_body(%arg0: i32, %arg1: memref<12x1280x128xf32, #tpu.memory_space<vmem>>, %arg2: memref<1280x128xf32, #tpu.memory_space<vmem>>, %arg3: memref<1280x128xf32, #tpu.memory_space<vmem>>, %arg4: memref<128x32xf32, #tpu.memory_space<vmem>>, %arg5: memref<64x32xf32, #tpu.memory_space<vmem>>, %arg6: memref<128x32xf32, #tpu.memory_space<vmem>>, %arg7: memref<64x32xf32, #tpu.memory_space<vmem>>, %arg8: memref<6x1280x128xf32, #tpu.memory_space<vmem>>) attributes {dimension_semantics = [#tpu.dimension_semantics<arbitrary>], iteration_bounds = array<i64: 8>, scalar_prefetch = 0 : i64, scratch_operands = 0 : i64, tpu.core_type = #tpu.core_type<tc>, window_params = [{transform_indices = @transform_0, window_bounds = array<i64: 12, 1280, 128>}, {transform_indices = @transform_1, window_bounds = array<i64: 1280, 128>}, {transform_indices = @transform_2, window_bounds = array<i64: 1280, 128>}, {pipeline_mode = #tpu.pipeline_mode<synchronous>, transform_indices = @transform_3, window_bounds = array<i64: 128, 32>}, {pipeline_mode = #tpu.pipeline_mode<synchronous>, transform_indices = @transform_4, window_bounds = array<i64: 64, 32>}, {pipeline_mode = #tpu.pipeline_mode<synchronous>, transform_indices = @transform_5, window_bounds = array<i64: 128, 32>}, {pipeline_mode = #tpu.pipeline_mode<synchronous>, transform_indices = @transform_6, window_bounds = array<i64: 64, 32>}, {transform_indices = @transform_7, window_bounds = array<i64: 6, 1280, 128>}]} {
    %get3A = arith.constant 0 : index
    %get3A_0 = arith.constant 0 : index
    %get3A_1 = vector.load %arg4[%get3A, %get3A_0] : memref<128x32xf32, #tpu.memory_space<vmem>>, vector<128x32xf32>
    %get3A_2 = arith.constant 0 : index
    %get3A_3 = arith.constant 0 : index
    %get3A_4 = vector.load %arg5[%get3A_2, %get3A_3] : memref<64x32xf32, #tpu.memory_space<vmem>>, vector<32x32xf32>
    %dot_general3A = arith.constant dense<0.000000e+00> : vector<128x32xf32>
    %dot_general3A_5 = tpu.matmul %get3A_1, %get3A_4, %dot_general3A {dimension_numbers = #tpu.dot_dimension_numbers<[1], [0], [0], [1], [0, 0, 1, 1], [], []>, transpose_lhs_hint = false} : vector<128x32xf32>, vector<32x32xf32>, vector<128x32xf32> -> vector<128x32xf32>
    %get3A_6 = arith.constant 0 : index
    %get3A_7 = arith.constant 0 : index
    %get3A_8 = vector.load %arg6[%get3A_6, %get3A_7] : memref<128x32xf32, #tpu.memory_space<vmem>>, vector<128x32xf32>
    %get3A_9 = arith.constant 0 : index
    %get3A_10 = arith.constant 0 : index
    %get3A_11 = vector.load %arg7[%get3A_9, %get3A_10] : memref<64x32xf32, #tpu.memory_space<vmem>>, vector<32x32xf32>
    %dot_general3A_12 = arith.constant dense<0.000000e+00> : vector<128x32xf32>
    %dot_general3A_13 = tpu.matmul %get3A_8, %get3A_11, %dot_general3A_12 {dimension_numbers = #tpu.dot_dimension_numbers<[1], [0], [0], [1], [0, 0, 1, 1], [], []>, transpose_lhs_hint = false} : vector<128x32xf32>, vector<32x32xf32>, vector<128x32xf32> -> vector<128x32xf32>
    %concatenate3A = tpu.concatenate %dot_general3A_5, %dot_general3A_13 in 1 : vector<128x32xf32>, vector<128x32xf32> -> vector<128x64xf32>
    %get3A_14 = arith.constant 0 : index
    %get3A_15 = arith.constant 0 : index
    %get3A_16 = vector.load %arg2[%get3A_14, %get3A_15] : memref<1280x128xf32, #tpu.memory_space<vmem>>, vector<1280x1xf32>
    %get3A_17 = vector.shape_cast %get3A_16 : vector<1280x1xf32> to vector<1280xf32>
    %get3A_18 = arith.constant 0 : index
    %get3A_19 = arith.constant 0 : index
    %get3A_20 = vector.load %arg3[%get3A_18, %get3A_19] : memref<1280x128xf32, #tpu.memory_space<vmem>>, vector<1280x1xf32>
    %get3A_21 = vector.shape_cast %get3A_20 : vector<1280x1xf32> to vector<1280xf32>
    %add3A = arith.addf %get3A_17, %get3A_21 : vector<1280xf32>
    %add3A_22 = arith.constant 1.000000e+00 : f32
    %add3A_23 = vector.broadcast %add3A_22 : f32 to vector<1280xf32>
    %add3A_24 = arith.addf %add3A, %add3A_23 : vector<1280xf32>
    %rsqrt3A = math.rsqrt %add3A_24 : vector<1280xf32>
    %get3A_25 = arith.constant 0 : index
    %get3A_26 = arith.constant 0 : index
    %get3A_27 = arith.constant 0 : index
    %get3A_28 = vector.load %arg1[%get3A_25, %get3A_26, %get3A_27] : memref<12x1280x128xf32, #tpu.memory_space<vmem>>, vector<1x1280x128xf32>
    %get3A_29 = vector.shape_cast %get3A_28 : vector<1x1280x128xf32> to vector<1280x128xf32>
    %dot_general3A_30 = arith.constant dense<0.000000e+00> : vector<1280x64xf32>
    %dot_general3A_31 = tpu.matmul %get3A_29, %concatenate3A, %dot_general3A_30 {dimension_numbers = #tpu.dot_dimension_numbers<[1], [0], [0], [1], [0, 0, 1, 1], [], []>, transpose_lhs_hint = false} : vector<1280x128xf32>, vector<128x64xf32>, vector<1280x64xf32> -> vector<1280x64xf32>
    %broadcast_in_dim3A = vector.shape_cast %rsqrt3A : vector<1280xf32> to vector<1280x1xf32>
    %mul3A = vector.broadcast %broadcast_in_dim3A : vector<1280x1xf32> to vector<1280x64xf32>
    %mul3A_32 = arith.mulf %dot_general3A_31, %mul3A : vector<1280x64xf32>
    %swap3A = arith.constant 0 : index
    %swap3A_33 = arith.constant 0 : index
    %swap3A_34 = arith.constant 0 : index
    %swap3A_35 = vector.load %arg8[%swap3A, %swap3A_33, %swap3A_34] : memref<6x1280x128xf32, #tpu.memory_space<vmem>>, vector<1x1280x64xf32>
    %swap3A_36 = vector.shape_cast %swap3A_35 : vector<1x1280x64xf32> to vector<1280x64xf32>
    %swap3A_37 = vector.shape_cast %mul3A_32 : vector<1280x64xf32> to vector<1x1280x64xf32>
    tpu.vector_store %arg8[%swap3A, %swap3A_33, %swap3A_34], %swap3A_37 {strides = array<i32>} : memref<6x1280x128xf32, #tpu.memory_space<vmem>>, vector<1x1280x64xf32>,
    %get3A_38 = arith.constant 1 : index
    %get3A_39 = arith.constant 0 : index
    %get3A_40 = arith.constant 0 : index
    %get3A_41 = vector.load %arg1[%get3A_38, %get3A_39, %get3A_40] : memref<12x1280x128xf32, #tpu.memory_space<vmem>>, vector<1x1280x128xf32>
    %get3A_42 = vector.shape_cast %get3A_41 : vector<1x1280x128xf32> to vector<1280x128xf32>
    %dot_general3A_43 = arith.constant dense<0.000000e+00> : vector<1280x64xf32>
    %dot_general3A_44 = tpu.matmul %get3A_42, %concatenate3A, %dot_general3A_43 {dimension_numbers = #tpu.dot_dimension_numbers<[1], [0], [0], [1], [0, 0, 1, 1], [], []>, transpose_lhs_hint = false} : vector<1280x128xf32>, vector<128x64xf32>, vector<1280x64xf32> -> vector<1280x64xf32>
    %broadcast_in_dim3A_45 = vector.shape_cast %rsqrt3A : vector<1280xf32> to vector<1280x1xf32>
    %mul3A_46 = vector.broadcast %broadcast_in_dim3A_45 : vector<1280x1xf32> to vector<1280x64xf32>
    %mul3A_47 = arith.mulf %dot_general3A_44, %mul3A_46 : vector<1280x64xf32>
    %swap3A_48 = arith.constant 0 : index
    %swap3A_49 = arith.constant 0 : index
    %swap3A_50 = arith.constant 64 : index
    %swap3A_51 = vector.load %arg8[%swap3A_48, %swap3A_49, %swap3A_50] : memref<6x1280x128xf32, #tpu.memory_space<vmem>>, vector<1x1280x64xf32>
    %swap3A_52 = vector.shape_cast %swap3A_51 : vector<1x1280x64xf32> to vector<1280x64xf32>
    %swap3A_53 = vector.shape_cast %mul3A_47 : vector<1280x64xf32> to vector<1x1280x64xf32>
    tpu.vector_store %arg8[%swap3A_48, %swap3A_49, %swap3A_50], %swap3A_53 {strides = array<i32>} : memref<6x1280x128xf32, #tpu.memory_space<vmem>>, vector<1x1280x64xf32>,
    %get3A_54 = arith.constant 2 : index
    %get3A_55 = arith.constant 0 : index
    %get3A_56 = arith.constant 0 : index
    %get3A_57 = vector.load %arg1[%get3A_54, %get3A_55, %get3A_56] : memref<12x1280x128xf32, #tpu.memory_space<vmem>>, vector<1x1280x128xf32>
    %get3A_58 = vector.shape_cast %get3A_57 : vector<1x1280x128xf32> to vector<1280x128xf32>
    %dot_general3A_59 = arith.constant dense<0.000000e+00> : vector<1280x64xf32>
    %dot_general3A_60 = tpu.matmul %get3A_58, %concatenate3A, %dot_general3A_59 {dimension_numbers = #tpu.dot_dimension_numbers<[1], [0], [0], [1], [0, 0, 1, 1], [], []>, transpose_lhs_hint = false} : vector<1280x128xf32>, vector<128x64xf32>, vector<1280x64xf32> -> vector<1280x64xf32>
    %broadcast_in_dim3A_61 = vector.shape_cast %rsqrt3A : vector<1280xf32> to vector<1280x1xf32>
    %mul3A_62 = vector.broadcast %broadcast_in_dim3A_61 : vector<1280x1xf32> to vector<1280x64xf32>
    %mul3A_63 = arith.mulf %dot_general3A_60, %mul3A_62 : vector<1280x64xf32>
    %swap3A_64 = arith.constant 1 : index
    %swap3A_65 = arith.constant 0 : index
    %swap3A_66 = arith.constant 0 : index
    %swap3A_67 = vector.load %arg8[%swap3A_64, %swap3A_65, %swap3A_66] : memref<6x1280x128xf32, #tpu.memory_space<vmem>>, vector<1x1280x64xf32>
    %swap3A_68 = vector.shape_cast %swap3A_67 : vector<1x1280x64xf32> to vector<1280x64xf32>
    %swap3A_69 = vector.shape_cast %mul3A_63 : vector<1280x64xf32> to vector<1x1280x64xf32>
    tpu.vector_store %arg8[%swap3A_64, %swap3A_65, %swap3A_66], %swap3A_69 {strides = array<i32>} : memref<6x1280x128xf32, #tpu.memory_space<vmem>>, vector<1x1280x64xf32>,
    %get3A_70 = arith.constant 3 : index
    %get3A_71 = arith.constant 0 : index
    %get3A_72 = arith.constant 0 : index
    %get3A_73 = vector.load %arg1[%get3A_70, %get3A_71, %get3A_72] : memref<12x1280x128xf32, #tpu.memory_space<vmem>>, vector<1x1280x128xf32>
    %get3A_74 = vector.shape_cast %get3A_73 : vector<1x1280x128xf32> to vector<1280x128xf32>
    %dot_general3A_75 = arith.constant dense<0.000000e+00> : vector<1280x64xf32>
    %dot_general3A_76 = tpu.matmul %get3A_74, %concatenate3A, %dot_general3A_75 {dimension_numbers = #tpu.dot_dimension_numbers<[1], [0], [0], [1], [0, 0, 1, 1], [], []>, transpose_lhs_hint = false} : vector<1280x128xf32>, vector<128x64xf32>, vector<1280x64xf32> -> vector<1280x64xf32>
    %broadcast_in_dim3A_77 = vector.shape_cast %rsqrt3A : vector<1280xf32> to vector<1280x1xf32>
    %mul3A_78 = vector.broadcast %broadcast_in_dim3A_77 : vector<1280x1xf32> to vector<1280x64xf32>
    %mul3A_79 = arith.mulf %dot_general3A_76, %mul3A_78 : vector<1280x64xf32>
    %swap3A_80 = arith.constant 1 : index
    %swap3A_81 = arith.constant 0 : index
    %swap3A_82 = arith.constant 64 : index
    %swap3A_83 = vector.load %arg8[%swap3A_80, %swap3A_81, %swap3A_82] : memref<6x1280x128xf32, #tpu.memory_space<vmem>>, vector<1x1280x64xf32>
    %swap3A_84 = vector.shape_cast %swap3A_83 : vector<1x1280x64xf32> to vector<1280x64xf32>
    %swap3A_85 = vector.shape_cast %mul3A_79 : vector<1280x64xf32> to vector<1x1280x64xf32>
    tpu.vector_store %arg8[%swap3A_80, %swap3A_81, %swap3A_82], %swap3A_85 {strides = array<i32>} : memref<6x1280x128xf32, #tpu.memory_space<vmem>>, vector<1x1280x64xf32>,
    %get3A_86 = arith.constant 4 : index
    %get3A_87 = arith.constant 0 : index
    %get3A_88 = arith.constant 0 : index
    %get3A_89 = vector.load %arg1[%get3A_86, %get3A_87, %get3A_88] : memref<12x1280x128xf32, #tpu.memory_space<vmem>>, vector<1x1280x128xf32>
    %get3A_90 = vector.shape_cast %get3A_89 : vector<1x1280x128xf32> to vector<1280x128xf32>
    %dot_general3A_91 = arith.constant dense<0.000000e+00> : vector<1280x64xf32>
    %dot_general3A_92 = tpu.matmul %get3A_90, %concatenate3A, %dot_general3A_91 {dimension_numbers = #tpu.dot_dimension_numbers<[1], [0], [0], [1], [0, 0, 1, 1], [], []>, transpose_lhs_hint = false} : vector<1280x128xf32>, vector<128x64xf32>, vector<1280x64xf32> -> vector<1280x64xf32>
    %broadcast_in_dim3A_93 = vector.shape_cast %rsqrt3A : vector<1280xf32> to vector<1280x1xf32>
    %mul3A_94 = vector.broadcast %broadcast_in_dim3A_93 : vector<1280x1xf32> to vector<1280x64xf32>
    %mul3A_95 = arith.mulf %dot_general3A_92, %mul3A_94 : vector<1280x64xf32>
    %swap3A_96 = arith.constant 2 : index
    %swap3A_97 = arith.constant 0 : index
    %swap3A_98 = arith.constant 0 : index
    %swap3A_99 = vector.load %arg8[%swap3A_96, %swap3A_97, %swap3A_98] : memref<6x1280x128xf32, #tpu.memory_space<vmem>>, vector<1x1280x64xf32>
    %swap3A_100 = vector.shape_cast %swap3A_99 : vector<1x1280x64xf32> to vector<1280x64xf32>
    %swap3A_101 = vector.shape_cast %mul3A_95 : vector<1280x64xf32> to vector<1x1280x64xf32>
    tpu.vector_store %arg8[%swap3A_96, %swap3A_97, %swap3A_98], %swap3A_101 {strides = array<i32>} : memref<6x1280x128xf32, #tpu.memory_space<vmem>>, vector<1x1280x64xf32>,
    %get3A_102 = arith.constant 5 : index
    %get3A_103 = arith.constant 0 : index
    %get3A_104 = arith.constant 0 : index
    %get3A_105 = vector.load %arg1[%get3A_102, %get3A_103, %get3A_104] : memref<12x1280x128xf32, #tpu.memory_space<vmem>>, vector<1x1280x128xf32>
    %get3A_106 = vector.shape_cast %get3A_105 : vector<1x1280x128xf32> to vector<1280x128xf32>
    %dot_general3A_107 = arith.constant dense<0.000000e+00> : vector<1280x64xf32>
    %dot_general3A_108 = tpu.matmul %get3A_106, %concatenate3A, %dot_general3A_107 {dimension_numbers = #tpu.dot_dimension_numbers<[1], [0], [0], [1], [0, 0, 1, 1], [], []>, transpose_lhs_hint = false} : vector<1280x128xf32>, vector<128x64xf32>, vector<1280x64xf32> -> vector<1280x64xf32>
    %broadcast_in_dim3A_109 = vector.shape_cast %rsqrt3A : vector<1280xf32> to vector<1280x1xf32>
    %mul3A_110 = vector.broadcast %broadcast_in_dim3A_109 : vector<1280x1xf32> to vector<1280x64xf32>
    %mul3A_111 = arith.mulf %dot_general3A_108, %mul3A_110 : vector<1280x64xf32>
    %swap3A_112 = arith.constant 2 : index
    %swap3A_113 = arith.constant 0 : index
    %swap3A_114 = arith.constant 64 : index
    %swap3A_115 = vector.load %arg8[%swap3A_112, %swap3A_113, %swap3A_114] : memref<6x1280x128xf32, #tpu.memory_space<vmem>>, vector<1x1280x64xf32>
    %swap3A_116 = vector.shape_cast %swap3A_115 : vector<1x1280x64xf32> to vector<1280x64xf32>
    %swap3A_117 = vector.shape_cast %mul3A_111 : vector<1280x64xf32> to vector<1x1280x64xf32>
    tpu.vector_store %arg8[%swap3A_112, %swap3A_113, %swap3A_114], %swap3A_117 {strides = array<i32>} : memref<6x1280x128xf32, #tpu.memory_space<vmem>>, vector<1x1280x64xf32>,
    %get3A_118 = arith.constant 6 : index
    %get3A_119 = arith.constant 0 : index
    %get3A_120 = arith.constant 0 : index
    %get3A_121 = vector.load %arg1[%get3A_118, %get3A_119, %get3A_120] : memref<12x1280x128xf32, #tpu.memory_space<vmem>>, vector<1x1280x128xf32>
    %get3A_122 = vector.shape_cast %get3A_121 : vector<1x1280x128xf32> to vector<1280x128xf32>
    %dot_general3A_123 = arith.constant dense<0.000000e+00> : vector<1280x64xf32>
    %dot_general3A_124 = tpu.matmul %get3A_122, %concatenate3A, %dot_general3A_123 {dimension_numbers = #tpu.dot_dimension_numbers<[1], [0], [0], [1], [0, 0, 1, 1], [], []>, transpose_lhs_hint = false} : vector<1280x128xf32>, vector<128x64xf32>, vector<1280x64xf32> -> vector<1280x64xf32>
    %broadcast_in_dim3A_125 = vector.shape_cast %rsqrt3A : vector<1280xf32> to vector<1280x1xf32>
    %mul3A_126 = vector.broadcast %broadcast_in_dim3A_125 : vector<1280x1xf32> to vector<1280x64xf32>
    %mul3A_127 = arith.mulf %dot_general3A_124, %mul3A_126 : vector<1280x64xf32>
    %swap3A_128 = arith.constant 3 : index
    %swap3A_129 = arith.constant 0 : index
    %swap3A_130 = arith.constant 0 : index
    %swap3A_131 = vector.load %arg8[%swap3A_128, %swap3A_129, %swap3A_130] : memref<6x1280x128xf32, #tpu.memory_space<vmem>>, vector<1x1280x64xf32>
    %swap3A_132 = vector.shape_cast %swap3A_131 : vector<1x1280x64xf32> to vector<1280x64xf32>
    %swap3A_133 = vector.shape_cast %mul3A_127 : vector<1280x64xf32> to vector<1x1280x64xf32>
    tpu.vector_store %arg8[%swap3A_128, %swap3A_129, %swap3A_130], %swap3A_133 {strides = array<i32>} : memref<6x1280x128xf32, #tpu.memory_space<vmem>>, vector<1x1280x64xf32>,
    %get3A_134 = arith.constant 7 : index
    %get3A_135 = arith.constant 0 : index
    %get3A_136 = arith.constant 0 : index
    %get3A_137 = vector.load %arg1[%get3A_134, %get3A_135, %get3A_136] : memref<12x1280x128xf32, #tpu.memory_space<vmem>>, vector<1x1280x128xf32>
    %get3A_138 = vector.shape_cast %get3A_137 : vector<1x1280x128xf32> to vector<1280x128xf32>
    %dot_general3A_139 = arith.constant dense<0.000000e+00> : vector<1280x64xf32>
    %dot_general3A_140 = tpu.matmul %get3A_138, %concatenate3A, %dot_general3A_139 {dimension_numbers = #tpu.dot_dimension_numbers<[1], [0], [0], [1], [0, 0, 1, 1], [], []>, transpose_lhs_hint = false} : vector<1280x128xf32>, vector<128x64xf32>, vector<1280x64xf32> -> vector<1280x64xf32>
    %broadcast_in_dim3A_141 = vector.shape_cast %rsqrt3A : vector<1280xf32> to vector<1280x1xf32>
    %mul3A_142 = vector.broadcast %broadcast_in_dim3A_141 : vector<1280x1xf32> to vector<1280x64xf32>
    %mul3A_143 = arith.mulf %dot_general3A_140, %mul3A_142 : vector<1280x64xf32>
    %swap3A_144 = arith.constant 3 : index
    %swap3A_145 = arith.constant 0 : index
    %swap3A_146 = arith.constant 64 : index
    %swap3A_147 = vector.load %arg8[%swap3A_144, %swap3A_145, %swap3A_146] : memref<6x1280x128xf32, #tpu.memory_space<vmem>>, vector<1x1280x64xf32>
    %swap3A_148 = vector.shape_cast %swap3A_147 : vector<1x1280x64xf32> to vector<1280x64xf32>
    %swap3A_149 = vector.shape_cast %mul3A_143 : vector<1280x64xf32> to vector<1x1280x64xf32>
    tpu.vector_store %arg8[%swap3A_144, %swap3A_145, %swap3A_146], %swap3A_149 {strides = array<i32>} : memref<6x1280x128xf32, #tpu.memory_space<vmem>>, vector<1x1280x64xf32>,
    %get3A_150 = arith.constant 8 : index
    %get3A_151 = arith.constant 0 : index
    %get3A_152 = arith.constant 0 : index
    %get3A_153 = vector.load %arg1[%get3A_150, %get3A_151, %get3A_152] : memref<12x1280x128xf32, #tpu.memory_space<vmem>>, vector<1x1280x128xf32>
    %get3A_154 = vector.shape_cast %get3A_153 : vector<1x1280x128xf32> to vector<1280x128xf32>
    %dot_general3A_155 = arith.constant dense<0.000000e+00> : vector<1280x64xf32>
    %dot_general3A_156 = tpu.matmul %get3A_154, %concatenate3A, %dot_general3A_155 {dimension_numbers = #tpu.dot_dimension_numbers<[1], [0], [0], [1], [0, 0, 1, 1], [], []>, transpose_lhs_hint = false} : vector<1280x128xf32>, vector<128x64xf32>, vector<1280x64xf32> -> vector<1280x64xf32>
    %broadcast_in_dim3A_157 = vector.shape_cast %rsqrt3A : vector<1280xf32> to vector<1280x1xf32>
    %mul3A_158 = vector.broadcast %broadcast_in_dim3A_157 : vector<1280x1xf32> to vector<1280x64xf32>
    %mul3A_159 = arith.mulf %dot_general3A_156, %mul3A_158 : vector<1280x64xf32>
    %swap3A_160 = arith.constant 4 : index
    %swap3A_161 = arith.constant 0 : index
    %swap3A_162 = arith.constant 0 : index
    %swap3A_163 = vector.load %arg8[%swap3A_160, %swap3A_161, %swap3A_162] : memref<6x1280x128xf32, #tpu.memory_space<vmem>>, vector<1x1280x64xf32>
    %swap3A_164 = vector.shape_cast %swap3A_163 : vector<1x1280x64xf32> to vector<1280x64xf32>
    %swap3A_165 = vector.shape_cast %mul3A_159 : vector<1280x64xf32> to vector<1x1280x64xf32>
    tpu.vector_store %arg8[%swap3A_160, %swap3A_161, %swap3A_162], %swap3A_165 {strides = array<i32>} : memref<6x1280x128xf32, #tpu.memory_space<vmem>>, vector<1x1280x64xf32>,
    %get3A_166 = arith.constant 9 : index
    %get3A_167 = arith.constant 0 : index
    %get3A_168 = arith.constant 0 : index
    %get3A_169 = vector.load %arg1[%get3A_166, %get3A_167, %get3A_168] : memref<12x1280x128xf32, #tpu.memory_space<vmem>>, vector<1x1280x128xf32>
    %get3A_170 = vector.shape_cast %get3A_169 : vector<1x1280x128xf32> to vector<1280x128xf32>
    %dot_general3A_171 = arith.constant dense<0.000000e+00> : vector<1280x64xf32>
    %dot_general3A_172 = tpu.matmul %get3A_170, %concatenate3A, %dot_general3A_171 {dimension_numbers = #tpu.dot_dimension_numbers<[1], [0], [0], [1], [0, 0, 1, 1], [], []>, transpose_lhs_hint = false} : vector<1280x128xf32>, vector<128x64xf32>, vector<1280x64xf32> -> vector<1280x64xf32>
    %broadcast_in_dim3A_173 = vector.shape_cast %rsqrt3A : vector<1280xf32> to vector<1280x1xf32>
    %mul3A_174 = vector.broadcast %broadcast_in_dim3A_173 : vector<1280x1xf32> to vector<1280x64xf32>
    %mul3A_175 = arith.mulf %dot_general3A_172, %mul3A_174 : vector<1280x64xf32>
    %swap3A_176 = arith.constant 4 : index
    %swap3A_177 = arith.constant 0 : index
    %swap3A_178 = arith.constant 64 : index
    %swap3A_179 = vector.load %arg8[%swap3A_176, %swap3A_177, %swap3A_178] : memref<6x1280x128xf32, #tpu.memory_space<vmem>>, vector<1x1280x64xf32>
    %swap3A_180 = vector.shape_cast %swap3A_179 : vector<1x1280x64xf32> to vector<1280x64xf32>
    %swap3A_181 = vector.shape_cast %mul3A_175 : vector<1280x64xf32> to vector<1x1280x64xf32>
    tpu.vector_store %arg8[%swap3A_176, %swap3A_177, %swap3A_178], %swap3A_181 {strides = array<i32>} : memref<6x1280x128xf32, #tpu.memory_space<vmem>>, vector<1x1280x64xf32>,
    %get3A_182 = arith.constant 10 : index
    %get3A_183 = arith.constant 0 : index
    %get3A_184 = arith.constant 0 : index
    %get3A_185 = vector.load %arg1[%get3A_182, %get3A_183, %get3A_184] : memref<12x1280x128xf32, #tpu.memory_space<vmem>>, vector<1x1280x128xf32>
    %get3A_186 = vector.shape_cast %get3A_185 : vector<1x1280x128xf32> to vector<1280x128xf32>
    %dot_general3A_187 = arith.constant dense<0.000000e+00> : vector<1280x64xf32>
    %dot_general3A_188 = tpu.matmul %get3A_186, %concatenate3A, %dot_general3A_187 {dimension_numbers = #tpu.dot_dimension_numbers<[1], [0], [0], [1], [0, 0, 1, 1], [], []>, transpose_lhs_hint = false} : vector<1280x128xf32>, vector<128x64xf32>, vector<1280x64xf32> -> vector<1280x64xf32>
    %broadcast_in_dim3A_189 = vector.shape_cast %rsqrt3A : vector<1280xf32> to vector<1280x1xf32>
    %mul3A_190 = vector.broadcast %broadcast_in_dim3A_189 : vector<1280x1xf32> to vector<1280x64xf32>
    %mul3A_191 = arith.mulf %dot_general3A_188, %mul3A_190 : vector<1280x64xf32>
    %swap3A_192 = arith.constant 5 : index
    %swap3A_193 = arith.constant 0 : index
    %swap3A_194 = arith.constant 0 : index
    %swap3A_195 = vector.load %arg8[%swap3A_192, %swap3A_193, %swap3A_194] : memref<6x1280x128xf32, #tpu.memory_space<vmem>>, vector<1x1280x64xf32>
    %swap3A_196 = vector.shape_cast %swap3A_195 : vector<1x1280x64xf32> to vector<1280x64xf32>
    %swap3A_197 = vector.shape_cast %mul3A_191 : vector<1280x64xf32> to vector<1x1280x64xf32>
    tpu.vector_store %arg8[%swap3A_192, %swap3A_193, %swap3A_194], %swap3A_197 {strides = array<i32>} : memref<6x1280x128xf32, #tpu.memory_space<vmem>>, vector<1x1280x64xf32>,
    %get3A_198 = arith.constant 11 : index
    %get3A_199 = arith.constant 0 : index
    %get3A_200 = arith.constant 0 : index
    %get3A_201 = vector.load %arg1[%get3A_198, %get3A_199, %get3A_200] : memref<12x1280x128xf32, #tpu.memory_space<vmem>>, vector<1x1280x128xf32>
    %get3A_202 = vector.shape_cast %get3A_201 : vector<1x1280x128xf32> to vector<1280x128xf32>
    %dot_general3A_203 = arith.constant dense<0.000000e+00> : vector<1280x64xf32>
    %dot_general3A_204 = tpu.matmul %get3A_202, %concatenate3A, %dot_general3A_203 {dimension_numbers = #tpu.dot_dimension_numbers<[1], [0], [0], [1], [0, 0, 1, 1], [], []>, transpose_lhs_hint = false} : vector<1280x128xf32>, vector<128x64xf32>, vector<1280x64xf32> -> vector<1280x64xf32>
    %broadcast_in_dim3A_205 = vector.shape_cast %rsqrt3A : vector<1280xf32> to vector<1280x1xf32>
    %mul3A_206 = vector.broadcast %broadcast_in_dim3A_205 : vector<1280x1xf32> to vector<1280x64xf32>
    %mul3A_207 = arith.mulf %dot_general3A_204, %mul3A_206 : vector<1280x64xf32>
    %swap3A_208 = arith.constant 5 : index
    %swap3A_209 = arith.constant 0 : index
    %swap3A_210 = arith.constant 64 : index
    %swap3A_211 = vector.load %arg8[%swap3A_208, %swap3A_209, %swap3A_210] : memref<6x1280x128xf32, #tpu.memory_space<vmem>>, vector<1x1280x64xf32>
    %swap3A_212 = vector.shape_cast %swap3A_211 : vector<1x1280x64xf32> to vector<1280x64xf32>
    %swap3A_213 = vector.shape_cast %mul3A_207 : vector<1280x64xf32> to vector<1x1280x64xf32>
    tpu.vector_store %arg8[%swap3A_208, %swap3A_209, %swap3A_210], %swap3A_213 {strides = array<i32>} : memref<6x1280x128xf32, #tpu.memory_space<vmem>>, vector<1x1280x64xf32>,
    return
  }
  func.func @transform_0(%arg0: i32) -> (i32, i32, i32) {
    %c0_i32 = arith.constant 0 : i32
    %c0_i32_0 = arith.constant 0 : i32
    %c0_i32_1 = arith.constant 0 : i32
    return %c0_i32, %arg0, %c0_i32_0 : i32, i32, i32
  }
  func.func @transform_1(%arg0: i32) -> (i32, i32) {
    %c0_i32 = arith.constant 0 : i32
    %c0_i32_0 = arith.constant 0 : i32
    return %arg0, %c0_i32 : i32, i32
  }
  func.func @transform_2(%arg0: i32) -> (i32, i32) {
    %c0_i32 = arith.constant 0 : i32
    %c0_i32_0 = arith.constant 0 : i32
    return %arg0, %c0_i32 : i32, i32
  }
  func.func @transform_3(%arg0: i32) -> (i32, i32) {
    %c0_i32 = arith.constant 0 : i32
    %c0_i32_0 = arith.constant 0 : i32
    %c0_i32_1 = arith.constant 0 : i32
    return %c0_i32, %c0_i32_0 : i32, i32
  }
  func.func @transform_4(%arg0: i32) -> (i32, i32) {
    %c0_i32 = arith.constant 0 : i32
    %c0_i32_0 = arith.constant 0 : i32
    %c0_i32_1 = arith.constant 0 : i32
    return %c0_i32, %c0_i32_0 : i32, i32
  }
  func.func @transform_5(%arg0: i32) -> (i32, i32) {
    %c0_i32 = arith.constant 0 : i32
    %c0_i32_0 = arith.constant 0 : i32
    %c0_i32_1 = arith.constant 0 : i32
    return %c0_i32, %c0_i32_0 : i32, i32
  }
  func.func @transform_6(%arg0: i32) -> (i32, i32) {
    %c0_i32 = arith.constant 0 : i32
    %c0_i32_0 = arith.constant 0 : i32
    %c0_i32_1 = arith.constant 0 : i32
    return %c0_i32, %c0_i32_0 : i32, i32
  }
  func.func @transform_7(%arg0: i32) -> (i32, i32, i32) {
    %c0_i32 = arith.constant 0 : i32
    %c0_i32_0 = arith.constant 0 : i32
    %c0_i32_1 = arith.constant 0 : i32
    return %c0_i32, %arg0, %c0_i32_0 : i32, i32, i32
  }
}

module attributes {stable_mosaic.version = 14 : i64} {
  func.func @_post_body(%arg0: i32, %arg1: memref<6x1280x128xf32, #tpu.memory_space<vmem>>, %arg2: memref<6x1280x128xf32, #tpu.memory_space<vmem>>, %arg3: memref<1280x128xf32, #tpu.memory_space<vmem>>, %arg4: memref<1280x128xf32, #tpu.memory_space<vmem>>, %arg5: memref<1x12xf32, #tpu.memory_space<vmem>>, %arg6: memref<1x32xf32, #tpu.memory_space<vmem>>, %arg7: memref<64x32xf32, #tpu.memory_space<vmem>>, %arg8: memref<1x32xf32, #tpu.memory_space<vmem>>, %arg9: memref<1x32xf32, #tpu.memory_space<vmem>>, %arg10: memref<64x32xf32, #tpu.memory_space<vmem>>, %arg11: memref<1x32xf32, #tpu.memory_space<vmem>>, %arg12: memref<1x32xf32, #tpu.memory_space<vmem>>, %arg13: memref<1x32xf32, #tpu.memory_space<vmem>>, %arg14: memref<32x12xf32, #tpu.memory_space<vmem>>, %arg15: memref<1x12xf32, #tpu.memory_space<vmem>>, %arg16: memref<1280x12xf32, #tpu.memory_space<vmem>>) attributes {dimension_semantics = [#tpu.dimension_semantics<arbitrary>], iteration_bounds = array<i64: 8>, scalar_prefetch = 0 : i64, scratch_operands = 0 : i64, tpu.core_type = #tpu.core_type<tc>, window_params = [{transform_indices = @transform_0, window_bounds = array<i64: 6, 1280, 128>}, {transform_indices = @transform_1, window_bounds = array<i64: 6, 1280, 128>}, {transform_indices = @transform_2, window_bounds = array<i64: 1280, 128>}, {transform_indices = @transform_3, window_bounds = array<i64: 1280, 128>}, {pipeline_mode = #tpu.pipeline_mode<synchronous>, transform_indices = @transform_4, window_bounds = array<i64: 1, 12>}, {pipeline_mode = #tpu.pipeline_mode<synchronous>, transform_indices = @transform_5, window_bounds = array<i64: 1, 32>}, {pipeline_mode = #tpu.pipeline_mode<synchronous>, transform_indices = @transform_6, window_bounds = array<i64: 64, 32>}, {pipeline_mode = #tpu.pipeline_mode<synchronous>, transform_indices = @transform_7, window_bounds = array<i64: 1, 32>}, {pipeline_mode = #tpu.pipeline_mode<synchronous>, transform_indices = @transform_8, window_bounds = array<i64: 1, 32>}, {pipeline_mode = #tpu.pipeline_mode<synchronous>, transform_indices = @transform_9, window_bounds = array<i64: 64, 32>}, {pipeline_mode = #tpu.pipeline_mode<synchronous>, transform_indices = @transform_10, window_bounds = array<i64: 1, 32>}, {pipeline_mode = #tpu.pipeline_mode<synchronous>, transform_indices = @transform_11, window_bounds = array<i64: 1, 32>}, {pipeline_mode = #tpu.pipeline_mode<synchronous>, transform_indices = @transform_12, window_bounds = array<i64: 1, 32>}, {pipeline_mode = #tpu.pipeline_mode<synchronous>, transform_indices = @transform_13, window_bounds = array<i64: 32, 12>}, {pipeline_mode = #tpu.pipeline_mode<synchronous>, transform_indices = @transform_14, window_bounds = array<i64: 1, 12>}, {transform_indices = @transform_15, window_bounds = array<i64: 1280, 12>}]} {
    %get3A = arith.constant 0 : index
    %get3A_0 = arith.constant 0 : index
    %get3A_1 = vector.load %arg5[%get3A, %get3A_0] : memref<1x12xf32, #tpu.memory_space<vmem>>, vector<1x12xf32>
    %reduce_max3A = arith.constant dense<0xFF800000> : vector<1xf32>
    %reduce_max3A_2 = vector.multi_reduction <maximumf>, %get3A_1, %reduce_max3A [1] : vector<1x12xf32> to vector<1xf32>
    %max3A = arith.constant 0xFF800000 : f32
    %max3A_3 = vector.broadcast %max3A : f32 to vector<1xf32>
    %max3A_4 = arith.maximumf %max3A_3, %reduce_max3A_2 : vector<1xf32>
    %broadcast_in_dim3A = vector.shape_cast %max3A_4 : vector<1xf32> to vector<1x1xf32>
    %sub3A = vector.broadcast %broadcast_in_dim3A : vector<1x1xf32> to vector<1x12xf32>
    %sub3A_5 = arith.subf %get3A_1, %sub3A : vector<1x12xf32>
    %exp3A = math.exp %sub3A_5 : vector<1x12xf32>
    %reduce_sum3A = arith.constant dense<0.000000e+00> : vector<1xf32>
    %reduce_sum3A_6 = vector.multi_reduction <add>, %exp3A, %reduce_sum3A [1] : vector<1x12xf32> to vector<1xf32>
    %broadcast_in_dim3A_7 = vector.shape_cast %reduce_sum3A_6 : vector<1xf32> to vector<1x1xf32>
    %div3A = vector.broadcast %broadcast_in_dim3A_7 : vector<1x1xf32> to vector<1x12xf32>
    %div3A_8 = arith.divf %exp3A, %div3A : vector<1x12xf32>
    %get3A_9 = arith.constant 0 : index
    %get3A_10 = arith.constant 0 : index
    %get3A_11 = vector.load %arg6[%get3A_9, %get3A_10] : memref<1x32xf32, #tpu.memory_space<vmem>>, vector<1x32xf32>
    %get3A_12 = arith.constant 0 : index
    %get3A_13 = arith.constant 0 : index
    %get3A_14 = vector.load %arg7[%get3A_12, %get3A_13] : memref<64x32xf32, #tpu.memory_space<vmem>>, vector<32x32xf32>
    %dot_general3A = arith.constant dense<0.000000e+00> : vector<1x32xf32>
    %dot_general3A_15 = tpu.matmul %get3A_11, %get3A_14, %dot_general3A {dimension_numbers = #tpu.dot_dimension_numbers<[1], [0], [0], [1], [0, 0, 1, 1], [], []>, transpose_lhs_hint = false} : vector<1x32xf32>, vector<32x32xf32>, vector<1x32xf32> -> vector<1x32xf32>
    %get3A_16 = arith.constant 0 : index
    %get3A_17 = arith.constant 0 : index
    %get3A_18 = vector.load %arg8[%get3A_16, %get3A_17] : memref<1x32xf32, #tpu.memory_space<vmem>>, vector<1x32xf32>
    %add3A = arith.addf %dot_general3A_15, %get3A_18 : vector<1x32xf32>
    %get3A_19 = arith.constant 0 : index
    %get3A_20 = arith.constant 0 : index
    %get3A_21 = vector.load %arg9[%get3A_19, %get3A_20] : memref<1x32xf32, #tpu.memory_space<vmem>>, vector<1x32xf32>
    %get3A_22 = arith.constant 0 : index
    %get3A_23 = arith.constant 0 : index
    %get3A_24 = vector.load %arg10[%get3A_22, %get3A_23] : memref<64x32xf32, #tpu.memory_space<vmem>>, vector<32x32xf32>
    %dot_general3A_25 = arith.constant dense<0.000000e+00> : vector<1x32xf32>
    %dot_general3A_26 = tpu.matmul %get3A_21, %get3A_24, %dot_general3A_25 {dimension_numbers = #tpu.dot_dimension_numbers<[1], [0], [0], [1], [0, 0, 1, 1], [], []>, transpose_lhs_hint = false} : vector<1x32xf32>, vector<32x32xf32>, vector<1x32xf32> -> vector<1x32xf32>
    %get3A_27 = arith.constant 0 : index
    %get3A_28 = arith.constant 0 : index
    %get3A_29 = vector.load %arg11[%get3A_27, %get3A_28] : memref<1x32xf32, #tpu.memory_space<vmem>>, vector<1x32xf32>
    %add3A_30 = arith.addf %dot_general3A_26, %get3A_29 : vector<1x32xf32>
    %get3A_31 = arith.constant 0 : index
    %get3A_32 = arith.constant 0 : index
    %get3A_33 = vector.load %arg3[%get3A_31, %get3A_32] : memref<1280x128xf32, #tpu.memory_space<vmem>>, vector<1280x1xf32>
    %get3A_34 = vector.shape_cast %get3A_33 : vector<1280x1xf32> to vector<1280xf32>
    %get3A_35 = arith.constant 0 : index
    %get3A_36 = arith.constant 0 : index
    %get3A_37 = vector.load %arg4[%get3A_35, %get3A_36] : memref<1280x128xf32, #tpu.memory_space<vmem>>, vector<1280x1xf32>
    %get3A_38 = vector.shape_cast %get3A_37 : vector<1280x1xf32> to vector<1280xf32>
    %add3A_39 = arith.addf %get3A_34, %get3A_38 : vector<1280xf32>
    %add3A_40 = arith.constant 1.000000e+00 : f32
    %add3A_41 = vector.broadcast %add3A_40 : f32 to vector<1280xf32>
    %add3A_42 = arith.addf %add3A_39, %add3A_41 : vector<1280xf32>
    %rsqrt3A = math.rsqrt %add3A_42 : vector<1280xf32>
    %broadcast_in_dim3A_43 = vector.shape_cast %rsqrt3A : vector<1280xf32> to vector<1280x1xf32>
    %broadcast_in_dim3A_44 = arith.constant 0.000000e+00 : f32
    %broadcast_in_dim3A_45 = vector.broadcast %broadcast_in_dim3A_44 : f32 to vector<1280x32xf32>
    %get3A_46 = arith.constant 0 : index
    %get3A_47 = arith.constant 0 : index
    %get3A_48 = arith.constant 0 : index
    %get3A_49 = vector.load %arg1[%get3A_46, %get3A_47, %get3A_48] : memref<6x1280x128xf32, #tpu.memory_space<vmem>>, vector<1x1280x32xf32>
    %get3A_50 = vector.shape_cast %get3A_49 : vector<1x1280x32xf32> to vector<1280x32xf32>
    %get3A_51 = arith.constant 0 : index
    %get3A_52 = arith.constant 0 : index
    %get3A_53 = arith.constant 0 : index
    %get3A_54 = vector.load %arg2[%get3A_51, %get3A_52, %get3A_53] : memref<6x1280x128xf32, #tpu.memory_space<vmem>>, vector<1x1280x32xf32>
    %get3A_55 = vector.shape_cast %get3A_54 : vector<1x1280x32xf32> to vector<1280x32xf32>
    %add3A_56 = arith.addf %get3A_50, %get3A_55 : vector<1280x32xf32>
    %mul3A = vector.broadcast %broadcast_in_dim3A_43 : vector<1280x1xf32> to vector<1280x32xf32>
    %mul3A_57 = arith.mulf %add3A_56, %mul3A : vector<1280x32xf32>
    %add3A_58 = vector.broadcast %add3A : vector<1x32xf32> to vector<1280x32xf32>
    %add3A_59 = arith.addf %mul3A_57, %add3A_58 : vector<1280x32xf32>
    %get3A_60 = arith.constant 0 : index
    %get3A_61 = arith.constant 0 : index
    %get3A_62 = arith.constant 32 : index
    %get3A_63 = vector.load %arg1[%get3A_60, %get3A_61, %get3A_62] : memref<6x1280x128xf32, #tpu.memory_space<vmem>>, vector<1x1280x32xf32>
    %get3A_64 = vector.shape_cast %get3A_63 : vector<1x1280x32xf32> to vector<1280x32xf32>
    %get3A_65 = arith.constant 0 : index
    %get3A_66 = arith.constant 0 : index
    %get3A_67 = arith.constant 32 : index
    %get3A_68 = vector.load %arg2[%get3A_65, %get3A_66, %get3A_67] : memref<6x1280x128xf32, #tpu.memory_space<vmem>>, vector<1x1280x32xf32>
    %get3A_69 = vector.shape_cast %get3A_68 : vector<1x1280x32xf32> to vector<1280x32xf32>
    %add3A_70 = arith.addf %get3A_64, %get3A_69 : vector<1280x32xf32>
    %mul3A_71 = vector.broadcast %broadcast_in_dim3A_43 : vector<1280x1xf32> to vector<1280x32xf32>
    %mul3A_72 = arith.mulf %add3A_70, %mul3A_71 : vector<1280x32xf32>
    %add3A_73 = vector.broadcast %add3A_30 : vector<1x32xf32> to vector<1280x32xf32>
    %add3A_74 = arith.addf %mul3A_72, %add3A_73 : vector<1280x32xf32>
    %logistic3A = arith.negf %add3A_59 : vector<1280x32xf32>
    %logistic3A_75 = math.exp %logistic3A : vector<1280x32xf32>
    %logistic3A_76 = arith.constant 1.000000e+00 : f32
    %logistic3A_77 = vector.broadcast %logistic3A_76 : f32 to vector<1280x32xf32>
    %logistic3A_78 = arith.addf %logistic3A_77, %logistic3A_75 : vector<1280x32xf32>
    %logistic3A_79 = arith.divf %logistic3A_77, %logistic3A_78 : vector<1280x32xf32>
    %sub3A_80 = arith.constant 1.000000e+00 : f32
    %sub3A_81 = vector.broadcast %sub3A_80 : f32 to vector<1280x32xf32>
    %sub3A_82 = arith.subf %sub3A_81, %logistic3A_79 : vector<1280x32xf32>
    %tanh3A = math.tanh %add3A_74 : vector<1280x32xf32>
    %mul3A_83 = arith.mulf %sub3A_82, %tanh3A : vector<1280x32xf32>
    %slice3A = vector.extract_strided_slice %div3A_8 {offsets = [0, 0], sizes = [1, 1], strides = [1, 1]} : vector<1x12xf32> to vector<1x1xf32>
    %mul3A_84 = vector.broadcast %slice3A : vector<1x1xf32> to vector<1280x32xf32>
    %mul3A_85 = arith.mulf %mul3A_84, %mul3A_83 : vector<1280x32xf32>
    %add3A_86 = arith.addf %broadcast_in_dim3A_45, %mul3A_85 : vector<1280x32xf32>
    %get3A_87 = arith.constant 0 : index
    %get3A_88 = arith.constant 0 : index
    %get3A_89 = arith.constant 64 : index
    %get3A_90 = vector.load %arg1[%get3A_87, %get3A_88, %get3A_89] : memref<6x1280x128xf32, #tpu.memory_space<vmem>>, vector<1x1280x32xf32>
    %get3A_91 = vector.shape_cast %get3A_90 : vector<1x1280x32xf32> to vector<1280x32xf32>
    %get3A_92 = arith.constant 0 : index
    %get3A_93 = arith.constant 0 : index
    %get3A_94 = arith.constant 64 : index
    %get3A_95 = vector.load %arg2[%get3A_92, %get3A_93, %get3A_94] : memref<6x1280x128xf32, #tpu.memory_space<vmem>>, vector<1x1280x32xf32>
    %get3A_96 = vector.shape_cast %get3A_95 : vector<1x1280x32xf32> to vector<1280x32xf32>
    %add3A_97 = arith.addf %get3A_91, %get3A_96 : vector<1280x32xf32>
    %mul3A_98 = vector.broadcast %broadcast_in_dim3A_43 : vector<1280x1xf32> to vector<1280x32xf32>
    %mul3A_99 = arith.mulf %add3A_97, %mul3A_98 : vector<1280x32xf32>
    %add3A_100 = vector.broadcast %add3A : vector<1x32xf32> to vector<1280x32xf32>
    %add3A_101 = arith.addf %mul3A_99, %add3A_100 : vector<1280x32xf32>
    %get3A_102 = arith.constant 0 : index
    %get3A_103 = arith.constant 0 : index
    %get3A_104 = arith.constant 96 : index
    %get3A_105 = vector.load %arg1[%get3A_102, %get3A_103, %get3A_104] : memref<6x1280x128xf32, #tpu.memory_space<vmem>>, vector<1x1280x32xf32>
    %get3A_106 = vector.shape_cast %get3A_105 : vector<1x1280x32xf32> to vector<1280x32xf32>
    %get3A_107 = arith.constant 0 : index
    %get3A_108 = arith.constant 0 : index
    %get3A_109 = arith.constant 96 : index
    %get3A_110 = vector.load %arg2[%get3A_107, %get3A_108, %get3A_109] : memref<6x1280x128xf32, #tpu.memory_space<vmem>>, vector<1x1280x32xf32>
    %get3A_111 = vector.shape_cast %get3A_110 : vector<1x1280x32xf32> to vector<1280x32xf32>
    %add3A_112 = arith.addf %get3A_106, %get3A_111 : vector<1280x32xf32>
    %mul3A_113 = vector.broadcast %broadcast_in_dim3A_43 : vector<1280x1xf32> to vector<1280x32xf32>
    %mul3A_114 = arith.mulf %add3A_112, %mul3A_113 : vector<1280x32xf32>
    %add3A_115 = vector.broadcast %add3A_30 : vector<1x32xf32> to vector<1280x32xf32>
    %add3A_116 = arith.addf %mul3A_114, %add3A_115 : vector<1280x32xf32>
    %logistic3A_117 = arith.negf %add3A_101 : vector<1280x32xf32>
    %logistic3A_118 = math.exp %logistic3A_117 : vector<1280x32xf32>
    %logistic3A_119 = arith.constant 1.000000e+00 : f32
    %logistic3A_120 = vector.broadcast %logistic3A_119 : f32 to vector<1280x32xf32>
    %logistic3A_121 = arith.addf %logistic3A_120, %logistic3A_118 : vector<1280x32xf32>
    %logistic3A_122 = arith.divf %logistic3A_120, %logistic3A_121 : vector<1280x32xf32>
    %sub3A_123 = arith.constant 1.000000e+00 : f32
    %sub3A_124 = vector.broadcast %sub3A_123 : f32 to vector<1280x32xf32>
    %sub3A_125 = arith.subf %sub3A_124, %logistic3A_122 : vector<1280x32xf32>
    %tanh3A_126 = math.tanh %add3A_116 : vector<1280x32xf32>
    %mul3A_127 = arith.mulf %sub3A_125, %tanh3A_126 : vector<1280x32xf32>
    %slice3A_128 = vector.extract_strided_slice %div3A_8 {offsets = [0, 1], sizes = [1, 1], strides = [1, 1]} : vector<1x12xf32> to vector<1x1xf32>
    %mul3A_129 = vector.broadcast %slice3A_128 : vector<1x1xf32> to vector<1280x32xf32>
    %mul3A_130 = arith.mulf %mul3A_129, %mul3A_127 : vector<1280x32xf32>
    %add3A_131 = arith.addf %add3A_86, %mul3A_130 : vector<1280x32xf32>
    %get3A_132 = arith.constant 1 : index
    %get3A_133 = arith.constant 0 : index
    %get3A_134 = arith.constant 0 : index
    %get3A_135 = vector.load %arg1[%get3A_132, %get3A_133, %get3A_134] : memref<6x1280x128xf32, #tpu.memory_space<vmem>>, vector<1x1280x32xf32>
    %get3A_136 = vector.shape_cast %get3A_135 : vector<1x1280x32xf32> to vector<1280x32xf32>
    %get3A_137 = arith.constant 1 : index
    %get3A_138 = arith.constant 0 : index
    %get3A_139 = arith.constant 0 : index
    %get3A_140 = vector.load %arg2[%get3A_137, %get3A_138, %get3A_139] : memref<6x1280x128xf32, #tpu.memory_space<vmem>>, vector<1x1280x32xf32>
    %get3A_141 = vector.shape_cast %get3A_140 : vector<1x1280x32xf32> to vector<1280x32xf32>
    %add3A_142 = arith.addf %get3A_136, %get3A_141 : vector<1280x32xf32>
    %mul3A_143 = vector.broadcast %broadcast_in_dim3A_43 : vector<1280x1xf32> to vector<1280x32xf32>
    %mul3A_144 = arith.mulf %add3A_142, %mul3A_143 : vector<1280x32xf32>
    %add3A_145 = vector.broadcast %add3A : vector<1x32xf32> to vector<1280x32xf32>
    %add3A_146 = arith.addf %mul3A_144, %add3A_145 : vector<1280x32xf32>
    %get3A_147 = arith.constant 1 : index
    %get3A_148 = arith.constant 0 : index
    %get3A_149 = arith.constant 32 : index
    %get3A_150 = vector.load %arg1[%get3A_147, %get3A_148, %get3A_149] : memref<6x1280x128xf32, #tpu.memory_space<vmem>>, vector<1x1280x32xf32>
    %get3A_151 = vector.shape_cast %get3A_150 : vector<1x1280x32xf32> to vector<1280x32xf32>
    %get3A_152 = arith.constant 1 : index
    %get3A_153 = arith.constant 0 : index
    %get3A_154 = arith.constant 32 : index
    %get3A_155 = vector.load %arg2[%get3A_152, %get3A_153, %get3A_154] : memref<6x1280x128xf32, #tpu.memory_space<vmem>>, vector<1x1280x32xf32>
    %get3A_156 = vector.shape_cast %get3A_155 : vector<1x1280x32xf32> to vector<1280x32xf32>
    %add3A_157 = arith.addf %get3A_151, %get3A_156 : vector<1280x32xf32>
    %mul3A_158 = vector.broadcast %broadcast_in_dim3A_43 : vector<1280x1xf32> to vector<1280x32xf32>
    %mul3A_159 = arith.mulf %add3A_157, %mul3A_158 : vector<1280x32xf32>
    %add3A_160 = vector.broadcast %add3A_30 : vector<1x32xf32> to vector<1280x32xf32>
    %add3A_161 = arith.addf %mul3A_159, %add3A_160 : vector<1280x32xf32>
    %logistic3A_162 = arith.negf %add3A_146 : vector<1280x32xf32>
    %logistic3A_163 = math.exp %logistic3A_162 : vector<1280x32xf32>
    %logistic3A_164 = arith.constant 1.000000e+00 : f32
    %logistic3A_165 = vector.broadcast %logistic3A_164 : f32 to vector<1280x32xf32>
    %logistic3A_166 = arith.addf %logistic3A_165, %logistic3A_163 : vector<1280x32xf32>
    %logistic3A_167 = arith.divf %logistic3A_165, %logistic3A_166 : vector<1280x32xf32>
    %sub3A_168 = arith.constant 1.000000e+00 : f32
    %sub3A_169 = vector.broadcast %sub3A_168 : f32 to vector<1280x32xf32>
    %sub3A_170 = arith.subf %sub3A_169, %logistic3A_167 : vector<1280x32xf32>
    %tanh3A_171 = math.tanh %add3A_161 : vector<1280x32xf32>
    %mul3A_172 = arith.mulf %sub3A_170, %tanh3A_171 : vector<1280x32xf32>
    %slice3A_173 = vector.extract_strided_slice %div3A_8 {offsets = [0, 2], sizes = [1, 1], strides = [1, 1]} : vector<1x12xf32> to vector<1x1xf32>
    %mul3A_174 = vector.broadcast %slice3A_173 : vector<1x1xf32> to vector<1280x32xf32>
    %mul3A_175 = arith.mulf %mul3A_174, %mul3A_172 : vector<1280x32xf32>
    %add3A_176 = arith.addf %add3A_131, %mul3A_175 : vector<1280x32xf32>
    %get3A_177 = arith.constant 1 : index
    %get3A_178 = arith.constant 0 : index
    %get3A_179 = arith.constant 64 : index
    %get3A_180 = vector.load %arg1[%get3A_177, %get3A_178, %get3A_179] : memref<6x1280x128xf32, #tpu.memory_space<vmem>>, vector<1x1280x32xf32>
    %get3A_181 = vector.shape_cast %get3A_180 : vector<1x1280x32xf32> to vector<1280x32xf32>
    %get3A_182 = arith.constant 1 : index
    %get3A_183 = arith.constant 0 : index
    %get3A_184 = arith.constant 64 : index
    %get3A_185 = vector.load %arg2[%get3A_182, %get3A_183, %get3A_184] : memref<6x1280x128xf32, #tpu.memory_space<vmem>>, vector<1x1280x32xf32>
    %get3A_186 = vector.shape_cast %get3A_185 : vector<1x1280x32xf32> to vector<1280x32xf32>
    %add3A_187 = arith.addf %get3A_181, %get3A_186 : vector<1280x32xf32>
    %mul3A_188 = vector.broadcast %broadcast_in_dim3A_43 : vector<1280x1xf32> to vector<1280x32xf32>
    %mul3A_189 = arith.mulf %add3A_187, %mul3A_188 : vector<1280x32xf32>
    %add3A_190 = vector.broadcast %add3A : vector<1x32xf32> to vector<1280x32xf32>
    %add3A_191 = arith.addf %mul3A_189, %add3A_190 : vector<1280x32xf32>
    %get3A_192 = arith.constant 1 : index
    %get3A_193 = arith.constant 0 : index
    %get3A_194 = arith.constant 96 : index
    %get3A_195 = vector.load %arg1[%get3A_192, %get3A_193, %get3A_194] : memref<6x1280x128xf32, #tpu.memory_space<vmem>>, vector<1x1280x32xf32>
    %get3A_196 = vector.shape_cast %get3A_195 : vector<1x1280x32xf32> to vector<1280x32xf32>
    %get3A_197 = arith.constant 1 : index
    %get3A_198 = arith.constant 0 : index
    %get3A_199 = arith.constant 96 : index
    %get3A_200 = vector.load %arg2[%get3A_197, %get3A_198, %get3A_199] : memref<6x1280x128xf32, #tpu.memory_space<vmem>>, vector<1x1280x32xf32>
    %get3A_201 = vector.shape_cast %get3A_200 : vector<1x1280x32xf32> to vector<1280x32xf32>
    %add3A_202 = arith.addf %get3A_196, %get3A_201 : vector<1280x32xf32>
    %mul3A_203 = vector.broadcast %broadcast_in_dim3A_43 : vector<1280x1xf32> to vector<1280x32xf32>
    %mul3A_204 = arith.mulf %add3A_202, %mul3A_203 : vector<1280x32xf32>
    %add3A_205 = vector.broadcast %add3A_30 : vector<1x32xf32> to vector<1280x32xf32>
    %add3A_206 = arith.addf %mul3A_204, %add3A_205 : vector<1280x32xf32>
    %logistic3A_207 = arith.negf %add3A_191 : vector<1280x32xf32>
    %logistic3A_208 = math.exp %logistic3A_207 : vector<1280x32xf32>
    %logistic3A_209 = arith.constant 1.000000e+00 : f32
    %logistic3A_210 = vector.broadcast %logistic3A_209 : f32 to vector<1280x32xf32>
    %logistic3A_211 = arith.addf %logistic3A_210, %logistic3A_208 : vector<1280x32xf32>
    %logistic3A_212 = arith.divf %logistic3A_210, %logistic3A_211 : vector<1280x32xf32>
    %sub3A_213 = arith.constant 1.000000e+00 : f32
    %sub3A_214 = vector.broadcast %sub3A_213 : f32 to vector<1280x32xf32>
    %sub3A_215 = arith.subf %sub3A_214, %logistic3A_212 : vector<1280x32xf32>
    %tanh3A_216 = math.tanh %add3A_206 : vector<1280x32xf32>
    %mul3A_217 = arith.mulf %sub3A_215, %tanh3A_216 : vector<1280x32xf32>
    %slice3A_218 = vector.extract_strided_slice %div3A_8 {offsets = [0, 3], sizes = [1, 1], strides = [1, 1]} : vector<1x12xf32> to vector<1x1xf32>
    %mul3A_219 = vector.broadcast %slice3A_218 : vector<1x1xf32> to vector<1280x32xf32>
    %mul3A_220 = arith.mulf %mul3A_219, %mul3A_217 : vector<1280x32xf32>
    %add3A_221 = arith.addf %add3A_176, %mul3A_220 : vector<1280x32xf32>
    %get3A_222 = arith.constant 2 : index
    %get3A_223 = arith.constant 0 : index
    %get3A_224 = arith.constant 0 : index
    %get3A_225 = vector.load %arg1[%get3A_222, %get3A_223, %get3A_224] : memref<6x1280x128xf32, #tpu.memory_space<vmem>>, vector<1x1280x32xf32>
    %get3A_226 = vector.shape_cast %get3A_225 : vector<1x1280x32xf32> to vector<1280x32xf32>
    %get3A_227 = arith.constant 2 : index
    %get3A_228 = arith.constant 0 : index
    %get3A_229 = arith.constant 0 : index
    %get3A_230 = vector.load %arg2[%get3A_227, %get3A_228, %get3A_229] : memref<6x1280x128xf32, #tpu.memory_space<vmem>>, vector<1x1280x32xf32>
    %get3A_231 = vector.shape_cast %get3A_230 : vector<1x1280x32xf32> to vector<1280x32xf32>
    %add3A_232 = arith.addf %get3A_226, %get3A_231 : vector<1280x32xf32>
    %mul3A_233 = vector.broadcast %broadcast_in_dim3A_43 : vector<1280x1xf32> to vector<1280x32xf32>
    %mul3A_234 = arith.mulf %add3A_232, %mul3A_233 : vector<1280x32xf32>
    %add3A_235 = vector.broadcast %add3A : vector<1x32xf32> to vector<1280x32xf32>
    %add3A_236 = arith.addf %mul3A_234, %add3A_235 : vector<1280x32xf32>
    %get3A_237 = arith.constant 2 : index
    %get3A_238 = arith.constant 0 : index
    %get3A_239 = arith.constant 32 : index
    %get3A_240 = vector.load %arg1[%get3A_237, %get3A_238, %get3A_239] : memref<6x1280x128xf32, #tpu.memory_space<vmem>>, vector<1x1280x32xf32>
    %get3A_241 = vector.shape_cast %get3A_240 : vector<1x1280x32xf32> to vector<1280x32xf32>
    %get3A_242 = arith.constant 2 : index
    %get3A_243 = arith.constant 0 : index
    %get3A_244 = arith.constant 32 : index
    %get3A_245 = vector.load %arg2[%get3A_242, %get3A_243, %get3A_244] : memref<6x1280x128xf32, #tpu.memory_space<vmem>>, vector<1x1280x32xf32>
    %get3A_246 = vector.shape_cast %get3A_245 : vector<1x1280x32xf32> to vector<1280x32xf32>
    %add3A_247 = arith.addf %get3A_241, %get3A_246 : vector<1280x32xf32>
    %mul3A_248 = vector.broadcast %broadcast_in_dim3A_43 : vector<1280x1xf32> to vector<1280x32xf32>
    %mul3A_249 = arith.mulf %add3A_247, %mul3A_248 : vector<1280x32xf32>
    %add3A_250 = vector.broadcast %add3A_30 : vector<1x32xf32> to vector<1280x32xf32>
    %add3A_251 = arith.addf %mul3A_249, %add3A_250 : vector<1280x32xf32>
    %logistic3A_252 = arith.negf %add3A_236 : vector<1280x32xf32>
    %logistic3A_253 = math.exp %logistic3A_252 : vector<1280x32xf32>
    %logistic3A_254 = arith.constant 1.000000e+00 : f32
    %logistic3A_255 = vector.broadcast %logistic3A_254 : f32 to vector<1280x32xf32>
    %logistic3A_256 = arith.addf %logistic3A_255, %logistic3A_253 : vector<1280x32xf32>
    %logistic3A_257 = arith.divf %logistic3A_255, %logistic3A_256 : vector<1280x32xf32>
    %sub3A_258 = arith.constant 1.000000e+00 : f32
    %sub3A_259 = vector.broadcast %sub3A_258 : f32 to vector<1280x32xf32>
    %sub3A_260 = arith.subf %sub3A_259, %logistic3A_257 : vector<1280x32xf32>
    %tanh3A_261 = math.tanh %add3A_251 : vector<1280x32xf32>
    %mul3A_262 = arith.mulf %sub3A_260, %tanh3A_261 : vector<1280x32xf32>
    %slice3A_263 = vector.extract_strided_slice %div3A_8 {offsets = [0, 4], sizes = [1, 1], strides = [1, 1]} : vector<1x12xf32> to vector<1x1xf32>
    %mul3A_264 = vector.broadcast %slice3A_263 : vector<1x1xf32> to vector<1280x32xf32>
    %mul3A_265 = arith.mulf %mul3A_264, %mul3A_262 : vector<1280x32xf32>
    %add3A_266 = arith.addf %add3A_221, %mul3A_265 : vector<1280x32xf32>
    %get3A_267 = arith.constant 2 : index
    %get3A_268 = arith.constant 0 : index
    %get3A_269 = arith.constant 64 : index
    %get3A_270 = vector.load %arg1[%get3A_267, %get3A_268, %get3A_269] : memref<6x1280x128xf32, #tpu.memory_space<vmem>>, vector<1x1280x32xf32>
    %get3A_271 = vector.shape_cast %get3A_270 : vector<1x1280x32xf32> to vector<1280x32xf32>
    %get3A_272 = arith.constant 2 : index
    %get3A_273 = arith.constant 0 : index
    %get3A_274 = arith.constant 64 : index
    %get3A_275 = vector.load %arg2[%get3A_272, %get3A_273, %get3A_274] : memref<6x1280x128xf32, #tpu.memory_space<vmem>>, vector<1x1280x32xf32>
    %get3A_276 = vector.shape_cast %get3A_275 : vector<1x1280x32xf32> to vector<1280x32xf32>
    %add3A_277 = arith.addf %get3A_271, %get3A_276 : vector<1280x32xf32>
    %mul3A_278 = vector.broadcast %broadcast_in_dim3A_43 : vector<1280x1xf32> to vector<1280x32xf32>
    %mul3A_279 = arith.mulf %add3A_277, %mul3A_278 : vector<1280x32xf32>
    %add3A_280 = vector.broadcast %add3A : vector<1x32xf32> to vector<1280x32xf32>
    %add3A_281 = arith.addf %mul3A_279, %add3A_280 : vector<1280x32xf32>
    %get3A_282 = arith.constant 2 : index
    %get3A_283 = arith.constant 0 : index
    %get3A_284 = arith.constant 96 : index
    %get3A_285 = vector.load %arg1[%get3A_282, %get3A_283, %get3A_284] : memref<6x1280x128xf32, #tpu.memory_space<vmem>>, vector<1x1280x32xf32>
    %get3A_286 = vector.shape_cast %get3A_285 : vector<1x1280x32xf32> to vector<1280x32xf32>
    %get3A_287 = arith.constant 2 : index
    %get3A_288 = arith.constant 0 : index
    %get3A_289 = arith.constant 96 : index
    %get3A_290 = vector.load %arg2[%get3A_287, %get3A_288, %get3A_289] : memref<6x1280x128xf32, #tpu.memory_space<vmem>>, vector<1x1280x32xf32>
    %get3A_291 = vector.shape_cast %get3A_290 : vector<1x1280x32xf32> to vector<1280x32xf32>
    %add3A_292 = arith.addf %get3A_286, %get3A_291 : vector<1280x32xf32>
    %mul3A_293 = vector.broadcast %broadcast_in_dim3A_43 : vector<1280x1xf32> to vector<1280x32xf32>
    %mul3A_294 = arith.mulf %add3A_292, %mul3A_293 : vector<1280x32xf32>
    %add3A_295 = vector.broadcast %add3A_30 : vector<1x32xf32> to vector<1280x32xf32>
    %add3A_296 = arith.addf %mul3A_294, %add3A_295 : vector<1280x32xf32>
    %logistic3A_297 = arith.negf %add3A_281 : vector<1280x32xf32>
    %logistic3A_298 = math.exp %logistic3A_297 : vector<1280x32xf32>
    %logistic3A_299 = arith.constant 1.000000e+00 : f32
    %logistic3A_300 = vector.broadcast %logistic3A_299 : f32 to vector<1280x32xf32>
    %logistic3A_301 = arith.addf %logistic3A_300, %logistic3A_298 : vector<1280x32xf32>
    %logistic3A_302 = arith.divf %logistic3A_300, %logistic3A_301 : vector<1280x32xf32>
    %sub3A_303 = arith.constant 1.000000e+00 : f32
    %sub3A_304 = vector.broadcast %sub3A_303 : f32 to vector<1280x32xf32>
    %sub3A_305 = arith.subf %sub3A_304, %logistic3A_302 : vector<1280x32xf32>
    %tanh3A_306 = math.tanh %add3A_296 : vector<1280x32xf32>
    %mul3A_307 = arith.mulf %sub3A_305, %tanh3A_306 : vector<1280x32xf32>
    %slice3A_308 = vector.extract_strided_slice %div3A_8 {offsets = [0, 5], sizes = [1, 1], strides = [1, 1]} : vector<1x12xf32> to vector<1x1xf32>
    %mul3A_309 = vector.broadcast %slice3A_308 : vector<1x1xf32> to vector<1280x32xf32>
    %mul3A_310 = arith.mulf %mul3A_309, %mul3A_307 : vector<1280x32xf32>
    %add3A_311 = arith.addf %add3A_266, %mul3A_310 : vector<1280x32xf32>
    %get3A_312 = arith.constant 3 : index
    %get3A_313 = arith.constant 0 : index
    %get3A_314 = arith.constant 0 : index
    %get3A_315 = vector.load %arg1[%get3A_312, %get3A_313, %get3A_314] : memref<6x1280x128xf32, #tpu.memory_space<vmem>>, vector<1x1280x32xf32>
    %get3A_316 = vector.shape_cast %get3A_315 : vector<1x1280x32xf32> to vector<1280x32xf32>
    %get3A_317 = arith.constant 3 : index
    %get3A_318 = arith.constant 0 : index
    %get3A_319 = arith.constant 0 : index
    %get3A_320 = vector.load %arg2[%get3A_317, %get3A_318, %get3A_319] : memref<6x1280x128xf32, #tpu.memory_space<vmem>>, vector<1x1280x32xf32>
    %get3A_321 = vector.shape_cast %get3A_320 : vector<1x1280x32xf32> to vector<1280x32xf32>
    %add3A_322 = arith.addf %get3A_316, %get3A_321 : vector<1280x32xf32>
    %mul3A_323 = vector.broadcast %broadcast_in_dim3A_43 : vector<1280x1xf32> to vector<1280x32xf32>
    %mul3A_324 = arith.mulf %add3A_322, %mul3A_323 : vector<1280x32xf32>
    %add3A_325 = vector.broadcast %add3A : vector<1x32xf32> to vector<1280x32xf32>
    %add3A_326 = arith.addf %mul3A_324, %add3A_325 : vector<1280x32xf32>
    %get3A_327 = arith.constant 3 : index
    %get3A_328 = arith.constant 0 : index
    %get3A_329 = arith.constant 32 : index
    %get3A_330 = vector.load %arg1[%get3A_327, %get3A_328, %get3A_329] : memref<6x1280x128xf32, #tpu.memory_space<vmem>>, vector<1x1280x32xf32>
    %get3A_331 = vector.shape_cast %get3A_330 : vector<1x1280x32xf32> to vector<1280x32xf32>
    %get3A_332 = arith.constant 3 : index
    %get3A_333 = arith.constant 0 : index
    %get3A_334 = arith.constant 32 : index
    %get3A_335 = vector.load %arg2[%get3A_332, %get3A_333, %get3A_334] : memref<6x1280x128xf32, #tpu.memory_space<vmem>>, vector<1x1280x32xf32>
    %get3A_336 = vector.shape_cast %get3A_335 : vector<1x1280x32xf32> to vector<1280x32xf32>
    %add3A_337 = arith.addf %get3A_331, %get3A_336 : vector<1280x32xf32>
    %mul3A_338 = vector.broadcast %broadcast_in_dim3A_43 : vector<1280x1xf32> to vector<1280x32xf32>
    %mul3A_339 = arith.mulf %add3A_337, %mul3A_338 : vector<1280x32xf32>
    %add3A_340 = vector.broadcast %add3A_30 : vector<1x32xf32> to vector<1280x32xf32>
    %add3A_341 = arith.addf %mul3A_339, %add3A_340 : vector<1280x32xf32>
    %logistic3A_342 = arith.negf %add3A_326 : vector<1280x32xf32>
    %logistic3A_343 = math.exp %logistic3A_342 : vector<1280x32xf32>
    %logistic3A_344 = arith.constant 1.000000e+00 : f32
    %logistic3A_345 = vector.broadcast %logistic3A_344 : f32 to vector<1280x32xf32>
    %logistic3A_346 = arith.addf %logistic3A_345, %logistic3A_343 : vector<1280x32xf32>
    %logistic3A_347 = arith.divf %logistic3A_345, %logistic3A_346 : vector<1280x32xf32>
    %sub3A_348 = arith.constant 1.000000e+00 : f32
    %sub3A_349 = vector.broadcast %sub3A_348 : f32 to vector<1280x32xf32>
    %sub3A_350 = arith.subf %sub3A_349, %logistic3A_347 : vector<1280x32xf32>
    %tanh3A_351 = math.tanh %add3A_341 : vector<1280x32xf32>
    %mul3A_352 = arith.mulf %sub3A_350, %tanh3A_351 : vector<1280x32xf32>
    %slice3A_353 = vector.extract_strided_slice %div3A_8 {offsets = [0, 6], sizes = [1, 1], strides = [1, 1]} : vector<1x12xf32> to vector<1x1xf32>
    %mul3A_354 = vector.broadcast %slice3A_353 : vector<1x1xf32> to vector<1280x32xf32>
    %mul3A_355 = arith.mulf %mul3A_354, %mul3A_352 : vector<1280x32xf32>
    %add3A_356 = arith.addf %add3A_311, %mul3A_355 : vector<1280x32xf32>
    %get3A_357 = arith.constant 3 : index
    %get3A_358 = arith.constant 0 : index
    %get3A_359 = arith.constant 64 : index
    %get3A_360 = vector.load %arg1[%get3A_357, %get3A_358, %get3A_359] : memref<6x1280x128xf32, #tpu.memory_space<vmem>>, vector<1x1280x32xf32>
    %get3A_361 = vector.shape_cast %get3A_360 : vector<1x1280x32xf32> to vector<1280x32xf32>
    %get3A_362 = arith.constant 3 : index
    %get3A_363 = arith.constant 0 : index
    %get3A_364 = arith.constant 64 : index
    %get3A_365 = vector.load %arg2[%get3A_362, %get3A_363, %get3A_364] : memref<6x1280x128xf32, #tpu.memory_space<vmem>>, vector<1x1280x32xf32>
    %get3A_366 = vector.shape_cast %get3A_365 : vector<1x1280x32xf32> to vector<1280x32xf32>
    %add3A_367 = arith.addf %get3A_361, %get3A_366 : vector<1280x32xf32>
    %mul3A_368 = vector.broadcast %broadcast_in_dim3A_43 : vector<1280x1xf32> to vector<1280x32xf32>
    %mul3A_369 = arith.mulf %add3A_367, %mul3A_368 : vector<1280x32xf32>
    %add3A_370 = vector.broadcast %add3A : vector<1x32xf32> to vector<1280x32xf32>
    %add3A_371 = arith.addf %mul3A_369, %add3A_370 : vector<1280x32xf32>
    %get3A_372 = arith.constant 3 : index
    %get3A_373 = arith.constant 0 : index
    %get3A_374 = arith.constant 96 : index
    %get3A_375 = vector.load %arg1[%get3A_372, %get3A_373, %get3A_374] : memref<6x1280x128xf32, #tpu.memory_space<vmem>>, vector<1x1280x32xf32>
    %get3A_376 = vector.shape_cast %get3A_375 : vector<1x1280x32xf32> to vector<1280x32xf32>
    %get3A_377 = arith.constant 3 : index
    %get3A_378 = arith.constant 0 : index
    %get3A_379 = arith.constant 96 : index
    %get3A_380 = vector.load %arg2[%get3A_377, %get3A_378, %get3A_379] : memref<6x1280x128xf32, #tpu.memory_space<vmem>>, vector<1x1280x32xf32>
    %get3A_381 = vector.shape_cast %get3A_380 : vector<1x1280x32xf32> to vector<1280x32xf32>
    %add3A_382 = arith.addf %get3A_376, %get3A_381 : vector<1280x32xf32>
    %mul3A_383 = vector.broadcast %broadcast_in_dim3A_43 : vector<1280x1xf32> to vector<1280x32xf32>
    %mul3A_384 = arith.mulf %add3A_382, %mul3A_383 : vector<1280x32xf32>
    %add3A_385 = vector.broadcast %add3A_30 : vector<1x32xf32> to vector<1280x32xf32>
    %add3A_386 = arith.addf %mul3A_384, %add3A_385 : vector<1280x32xf32>
    %logistic3A_387 = arith.negf %add3A_371 : vector<1280x32xf32>
    %logistic3A_388 = math.exp %logistic3A_387 : vector<1280x32xf32>
    %logistic3A_389 = arith.constant 1.000000e+00 : f32
    %logistic3A_390 = vector.broadcast %logistic3A_389 : f32 to vector<1280x32xf32>
    %logistic3A_391 = arith.addf %logistic3A_390, %logistic3A_388 : vector<1280x32xf32>
    %logistic3A_392 = arith.divf %logistic3A_390, %logistic3A_391 : vector<1280x32xf32>
    %sub3A_393 = arith.constant 1.000000e+00 : f32
    %sub3A_394 = vector.broadcast %sub3A_393 : f32 to vector<1280x32xf32>
    %sub3A_395 = arith.subf %sub3A_394, %logistic3A_392 : vector<1280x32xf32>
    %tanh3A_396 = math.tanh %add3A_386 : vector<1280x32xf32>
    %mul3A_397 = arith.mulf %sub3A_395, %tanh3A_396 : vector<1280x32xf32>
    %slice3A_398 = vector.extract_strided_slice %div3A_8 {offsets = [0, 7], sizes = [1, 1], strides = [1, 1]} : vector<1x12xf32> to vector<1x1xf32>
    %mul3A_399 = vector.broadcast %slice3A_398 : vector<1x1xf32> to vector<1280x32xf32>
    %mul3A_400 = arith.mulf %mul3A_399, %mul3A_397 : vector<1280x32xf32>
    %add3A_401 = arith.addf %add3A_356, %mul3A_400 : vector<1280x32xf32>
    %get3A_402 = arith.constant 4 : index
    %get3A_403 = arith.constant 0 : index
    %get3A_404 = arith.constant 0 : index
    %get3A_405 = vector.load %arg1[%get3A_402, %get3A_403, %get3A_404] : memref<6x1280x128xf32, #tpu.memory_space<vmem>>, vector<1x1280x32xf32>
    %get3A_406 = vector.shape_cast %get3A_405 : vector<1x1280x32xf32> to vector<1280x32xf32>
    %get3A_407 = arith.constant 4 : index
    %get3A_408 = arith.constant 0 : index
    %get3A_409 = arith.constant 0 : index
    %get3A_410 = vector.load %arg2[%get3A_407, %get3A_408, %get3A_409] : memref<6x1280x128xf32, #tpu.memory_space<vmem>>, vector<1x1280x32xf32>
    %get3A_411 = vector.shape_cast %get3A_410 : vector<1x1280x32xf32> to vector<1280x32xf32>
    %add3A_412 = arith.addf %get3A_406, %get3A_411 : vector<1280x32xf32>
    %mul3A_413 = vector.broadcast %broadcast_in_dim3A_43 : vector<1280x1xf32> to vector<1280x32xf32>
    %mul3A_414 = arith.mulf %add3A_412, %mul3A_413 : vector<1280x32xf32>
    %add3A_415 = vector.broadcast %add3A : vector<1x32xf32> to vector<1280x32xf32>
    %add3A_416 = arith.addf %mul3A_414, %add3A_415 : vector<1280x32xf32>
    %get3A_417 = arith.constant 4 : index
    %get3A_418 = arith.constant 0 : index
    %get3A_419 = arith.constant 32 : index
    %get3A_420 = vector.load %arg1[%get3A_417, %get3A_418, %get3A_419] : memref<6x1280x128xf32, #tpu.memory_space<vmem>>, vector<1x1280x32xf32>
    %get3A_421 = vector.shape_cast %get3A_420 : vector<1x1280x32xf32> to vector<1280x32xf32>
    %get3A_422 = arith.constant 4 : index
    %get3A_423 = arith.constant 0 : index
    %get3A_424 = arith.constant 32 : index
    %get3A_425 = vector.load %arg2[%get3A_422, %get3A_423, %get3A_424] : memref<6x1280x128xf32, #tpu.memory_space<vmem>>, vector<1x1280x32xf32>
    %get3A_426 = vector.shape_cast %get3A_425 : vector<1x1280x32xf32> to vector<1280x32xf32>
    %add3A_427 = arith.addf %get3A_421, %get3A_426 : vector<1280x32xf32>
    %mul3A_428 = vector.broadcast %broadcast_in_dim3A_43 : vector<1280x1xf32> to vector<1280x32xf32>
    %mul3A_429 = arith.mulf %add3A_427, %mul3A_428 : vector<1280x32xf32>
    %add3A_430 = vector.broadcast %add3A_30 : vector<1x32xf32> to vector<1280x32xf32>
    %add3A_431 = arith.addf %mul3A_429, %add3A_430 : vector<1280x32xf32>
    %logistic3A_432 = arith.negf %add3A_416 : vector<1280x32xf32>
    %logistic3A_433 = math.exp %logistic3A_432 : vector<1280x32xf32>
    %logistic3A_434 = arith.constant 1.000000e+00 : f32
    %logistic3A_435 = vector.broadcast %logistic3A_434 : f32 to vector<1280x32xf32>
    %logistic3A_436 = arith.addf %logistic3A_435, %logistic3A_433 : vector<1280x32xf32>
    %logistic3A_437 = arith.divf %logistic3A_435, %logistic3A_436 : vector<1280x32xf32>
    %sub3A_438 = arith.constant 1.000000e+00 : f32
    %sub3A_439 = vector.broadcast %sub3A_438 : f32 to vector<1280x32xf32>
    %sub3A_440 = arith.subf %sub3A_439, %logistic3A_437 : vector<1280x32xf32>
    %tanh3A_441 = math.tanh %add3A_431 : vector<1280x32xf32>
    %mul3A_442 = arith.mulf %sub3A_440, %tanh3A_441 : vector<1280x32xf32>
    %slice3A_443 = vector.extract_strided_slice %div3A_8 {offsets = [0, 8], sizes = [1, 1], strides = [1, 1]} : vector<1x12xf32> to vector<1x1xf32>
    %mul3A_444 = vector.broadcast %slice3A_443 : vector<1x1xf32> to vector<1280x32xf32>
    %mul3A_445 = arith.mulf %mul3A_444, %mul3A_442 : vector<1280x32xf32>
    %add3A_446 = arith.addf %add3A_401, %mul3A_445 : vector<1280x32xf32>
    %get3A_447 = arith.constant 4 : index
    %get3A_448 = arith.constant 0 : index
    %get3A_449 = arith.constant 64 : index
    %get3A_450 = vector.load %arg1[%get3A_447, %get3A_448, %get3A_449] : memref<6x1280x128xf32, #tpu.memory_space<vmem>>, vector<1x1280x32xf32>
    %get3A_451 = vector.shape_cast %get3A_450 : vector<1x1280x32xf32> to vector<1280x32xf32>
    %get3A_452 = arith.constant 4 : index
    %get3A_453 = arith.constant 0 : index
    %get3A_454 = arith.constant 64 : index
    %get3A_455 = vector.load %arg2[%get3A_452, %get3A_453, %get3A_454] : memref<6x1280x128xf32, #tpu.memory_space<vmem>>, vector<1x1280x32xf32>
    %get3A_456 = vector.shape_cast %get3A_455 : vector<1x1280x32xf32> to vector<1280x32xf32>
    %add3A_457 = arith.addf %get3A_451, %get3A_456 : vector<1280x32xf32>
    %mul3A_458 = vector.broadcast %broadcast_in_dim3A_43 : vector<1280x1xf32> to vector<1280x32xf32>
    %mul3A_459 = arith.mulf %add3A_457, %mul3A_458 : vector<1280x32xf32>
    %add3A_460 = vector.broadcast %add3A : vector<1x32xf32> to vector<1280x32xf32>
    %add3A_461 = arith.addf %mul3A_459, %add3A_460 : vector<1280x32xf32>
    %get3A_462 = arith.constant 4 : index
    %get3A_463 = arith.constant 0 : index
    %get3A_464 = arith.constant 96 : index
    %get3A_465 = vector.load %arg1[%get3A_462, %get3A_463, %get3A_464] : memref<6x1280x128xf32, #tpu.memory_space<vmem>>, vector<1x1280x32xf32>
    %get3A_466 = vector.shape_cast %get3A_465 : vector<1x1280x32xf32> to vector<1280x32xf32>
    %get3A_467 = arith.constant 4 : index
    %get3A_468 = arith.constant 0 : index
    %get3A_469 = arith.constant 96 : index
    %get3A_470 = vector.load %arg2[%get3A_467, %get3A_468, %get3A_469] : memref<6x1280x128xf32, #tpu.memory_space<vmem>>, vector<1x1280x32xf32>
    %get3A_471 = vector.shape_cast %get3A_470 : vector<1x1280x32xf32> to vector<1280x32xf32>
    %add3A_472 = arith.addf %get3A_466, %get3A_471 : vector<1280x32xf32>
    %mul3A_473 = vector.broadcast %broadcast_in_dim3A_43 : vector<1280x1xf32> to vector<1280x32xf32>
    %mul3A_474 = arith.mulf %add3A_472, %mul3A_473 : vector<1280x32xf32>
    %add3A_475 = vector.broadcast %add3A_30 : vector<1x32xf32> to vector<1280x32xf32>
    %add3A_476 = arith.addf %mul3A_474, %add3A_475 : vector<1280x32xf32>
    %logistic3A_477 = arith.negf %add3A_461 : vector<1280x32xf32>
    %logistic3A_478 = math.exp %logistic3A_477 : vector<1280x32xf32>
    %logistic3A_479 = arith.constant 1.000000e+00 : f32
    %logistic3A_480 = vector.broadcast %logistic3A_479 : f32 to vector<1280x32xf32>
    %logistic3A_481 = arith.addf %logistic3A_480, %logistic3A_478 : vector<1280x32xf32>
    %logistic3A_482 = arith.divf %logistic3A_480, %logistic3A_481 : vector<1280x32xf32>
    %sub3A_483 = arith.constant 1.000000e+00 : f32
    %sub3A_484 = vector.broadcast %sub3A_483 : f32 to vector<1280x32xf32>
    %sub3A_485 = arith.subf %sub3A_484, %logistic3A_482 : vector<1280x32xf32>
    %tanh3A_486 = math.tanh %add3A_476 : vector<1280x32xf32>
    %mul3A_487 = arith.mulf %sub3A_485, %tanh3A_486 : vector<1280x32xf32>
    %slice3A_488 = vector.extract_strided_slice %div3A_8 {offsets = [0, 9], sizes = [1, 1], strides = [1, 1]} : vector<1x12xf32> to vector<1x1xf32>
    %mul3A_489 = vector.broadcast %slice3A_488 : vector<1x1xf32> to vector<1280x32xf32>
    %mul3A_490 = arith.mulf %mul3A_489, %mul3A_487 : vector<1280x32xf32>
    %add3A_491 = arith.addf %add3A_446, %mul3A_490 : vector<1280x32xf32>
    %get3A_492 = arith.constant 5 : index
    %get3A_493 = arith.constant 0 : index
    %get3A_494 = arith.constant 0 : index
    %get3A_495 = vector.load %arg1[%get3A_492, %get3A_493, %get3A_494] : memref<6x1280x128xf32, #tpu.memory_space<vmem>>, vector<1x1280x32xf32>
    %get3A_496 = vector.shape_cast %get3A_495 : vector<1x1280x32xf32> to vector<1280x32xf32>
    %get3A_497 = arith.constant 5 : index
    %get3A_498 = arith.constant 0 : index
    %get3A_499 = arith.constant 0 : index
    %get3A_500 = vector.load %arg2[%get3A_497, %get3A_498, %get3A_499] : memref<6x1280x128xf32, #tpu.memory_space<vmem>>, vector<1x1280x32xf32>
    %get3A_501 = vector.shape_cast %get3A_500 : vector<1x1280x32xf32> to vector<1280x32xf32>
    %add3A_502 = arith.addf %get3A_496, %get3A_501 : vector<1280x32xf32>
    %mul3A_503 = vector.broadcast %broadcast_in_dim3A_43 : vector<1280x1xf32> to vector<1280x32xf32>
    %mul3A_504 = arith.mulf %add3A_502, %mul3A_503 : vector<1280x32xf32>
    %add3A_505 = vector.broadcast %add3A : vector<1x32xf32> to vector<1280x32xf32>
    %add3A_506 = arith.addf %mul3A_504, %add3A_505 : vector<1280x32xf32>
    %get3A_507 = arith.constant 5 : index
    %get3A_508 = arith.constant 0 : index
    %get3A_509 = arith.constant 32 : index
    %get3A_510 = vector.load %arg1[%get3A_507, %get3A_508, %get3A_509] : memref<6x1280x128xf32, #tpu.memory_space<vmem>>, vector<1x1280x32xf32>
    %get3A_511 = vector.shape_cast %get3A_510 : vector<1x1280x32xf32> to vector<1280x32xf32>
    %get3A_512 = arith.constant 5 : index
    %get3A_513 = arith.constant 0 : index
    %get3A_514 = arith.constant 32 : index
    %get3A_515 = vector.load %arg2[%get3A_512, %get3A_513, %get3A_514] : memref<6x1280x128xf32, #tpu.memory_space<vmem>>, vector<1x1280x32xf32>
    %get3A_516 = vector.shape_cast %get3A_515 : vector<1x1280x32xf32> to vector<1280x32xf32>
    %add3A_517 = arith.addf %get3A_511, %get3A_516 : vector<1280x32xf32>
    %mul3A_518 = vector.broadcast %broadcast_in_dim3A_43 : vector<1280x1xf32> to vector<1280x32xf32>
    %mul3A_519 = arith.mulf %add3A_517, %mul3A_518 : vector<1280x32xf32>
    %add3A_520 = vector.broadcast %add3A_30 : vector<1x32xf32> to vector<1280x32xf32>
    %add3A_521 = arith.addf %mul3A_519, %add3A_520 : vector<1280x32xf32>
    %logistic3A_522 = arith.negf %add3A_506 : vector<1280x32xf32>
    %logistic3A_523 = math.exp %logistic3A_522 : vector<1280x32xf32>
    %logistic3A_524 = arith.constant 1.000000e+00 : f32
    %logistic3A_525 = vector.broadcast %logistic3A_524 : f32 to vector<1280x32xf32>
    %logistic3A_526 = arith.addf %logistic3A_525, %logistic3A_523 : vector<1280x32xf32>
    %logistic3A_527 = arith.divf %logistic3A_525, %logistic3A_526 : vector<1280x32xf32>
    %sub3A_528 = arith.constant 1.000000e+00 : f32
    %sub3A_529 = vector.broadcast %sub3A_528 : f32 to vector<1280x32xf32>
    %sub3A_530 = arith.subf %sub3A_529, %logistic3A_527 : vector<1280x32xf32>
    %tanh3A_531 = math.tanh %add3A_521 : vector<1280x32xf32>
    %mul3A_532 = arith.mulf %sub3A_530, %tanh3A_531 : vector<1280x32xf32>
    %slice3A_533 = vector.extract_strided_slice %div3A_8 {offsets = [0, 10], sizes = [1, 1], strides = [1, 1]} : vector<1x12xf32> to vector<1x1xf32>
    %mul3A_534 = vector.broadcast %slice3A_533 : vector<1x1xf32> to vector<1280x32xf32>
    %mul3A_535 = arith.mulf %mul3A_534, %mul3A_532 : vector<1280x32xf32>
    %add3A_536 = arith.addf %add3A_491, %mul3A_535 : vector<1280x32xf32>
    %get3A_537 = arith.constant 5 : index
    %get3A_538 = arith.constant 0 : index
    %get3A_539 = arith.constant 64 : index
    %get3A_540 = vector.load %arg1[%get3A_537, %get3A_538, %get3A_539] : memref<6x1280x128xf32, #tpu.memory_space<vmem>>, vector<1x1280x32xf32>
    %get3A_541 = vector.shape_cast %get3A_540 : vector<1x1280x32xf32> to vector<1280x32xf32>
    %get3A_542 = arith.constant 5 : index
    %get3A_543 = arith.constant 0 : index
    %get3A_544 = arith.constant 64 : index
    %get3A_545 = vector.load %arg2[%get3A_542, %get3A_543, %get3A_544] : memref<6x1280x128xf32, #tpu.memory_space<vmem>>, vector<1x1280x32xf32>
    %get3A_546 = vector.shape_cast %get3A_545 : vector<1x1280x32xf32> to vector<1280x32xf32>
    %add3A_547 = arith.addf %get3A_541, %get3A_546 : vector<1280x32xf32>
    %mul3A_548 = vector.broadcast %broadcast_in_dim3A_43 : vector<1280x1xf32> to vector<1280x32xf32>
    %mul3A_549 = arith.mulf %add3A_547, %mul3A_548 : vector<1280x32xf32>
    %add3A_550 = vector.broadcast %add3A : vector<1x32xf32> to vector<1280x32xf32>
    %add3A_551 = arith.addf %mul3A_549, %add3A_550 : vector<1280x32xf32>
    %get3A_552 = arith.constant 5 : index
    %get3A_553 = arith.constant 0 : index
    %get3A_554 = arith.constant 96 : index
    %get3A_555 = vector.load %arg1[%get3A_552, %get3A_553, %get3A_554] : memref<6x1280x128xf32, #tpu.memory_space<vmem>>, vector<1x1280x32xf32>
    %get3A_556 = vector.shape_cast %get3A_555 : vector<1x1280x32xf32> to vector<1280x32xf32>
    %get3A_557 = arith.constant 5 : index
    %get3A_558 = arith.constant 0 : index
    %get3A_559 = arith.constant 96 : index
    %get3A_560 = vector.load %arg2[%get3A_557, %get3A_558, %get3A_559] : memref<6x1280x128xf32, #tpu.memory_space<vmem>>, vector<1x1280x32xf32>
    %get3A_561 = vector.shape_cast %get3A_560 : vector<1x1280x32xf32> to vector<1280x32xf32>
    %add3A_562 = arith.addf %get3A_556, %get3A_561 : vector<1280x32xf32>
    %mul3A_563 = vector.broadcast %broadcast_in_dim3A_43 : vector<1280x1xf32> to vector<1280x32xf32>
    %mul3A_564 = arith.mulf %add3A_562, %mul3A_563 : vector<1280x32xf32>
    %add3A_565 = vector.broadcast %add3A_30 : vector<1x32xf32> to vector<1280x32xf32>
    %add3A_566 = arith.addf %mul3A_564, %add3A_565 : vector<1280x32xf32>
    %logistic3A_567 = arith.negf %add3A_551 : vector<1280x32xf32>
    %logistic3A_568 = math.exp %logistic3A_567 : vector<1280x32xf32>
    %logistic3A_569 = arith.constant 1.000000e+00 : f32
    %logistic3A_570 = vector.broadcast %logistic3A_569 : f32 to vector<1280x32xf32>
    %logistic3A_571 = arith.addf %logistic3A_570, %logistic3A_568 : vector<1280x32xf32>
    %logistic3A_572 = arith.divf %logistic3A_570, %logistic3A_571 : vector<1280x32xf32>
    %sub3A_573 = arith.constant 1.000000e+00 : f32
    %sub3A_574 = vector.broadcast %sub3A_573 : f32 to vector<1280x32xf32>
    %sub3A_575 = arith.subf %sub3A_574, %logistic3A_572 : vector<1280x32xf32>
    %tanh3A_576 = math.tanh %add3A_566 : vector<1280x32xf32>
    %mul3A_577 = arith.mulf %sub3A_575, %tanh3A_576 : vector<1280x32xf32>
    %slice3A_578 = vector.extract_strided_slice %div3A_8 {offsets = [0, 11], sizes = [1, 1], strides = [1, 1]} : vector<1x12xf32> to vector<1x1xf32>
    %mul3A_579 = vector.broadcast %slice3A_578 : vector<1x1xf32> to vector<1280x32xf32>
    %mul3A_580 = arith.mulf %mul3A_579, %mul3A_577 : vector<1280x32xf32>
    %add3A_581 = arith.addf %add3A_536, %mul3A_580 : vector<1280x32xf32>
    %gt3A = arith.constant 0.000000e+00 : f32
    %gt3A_582 = vector.broadcast %gt3A : f32 to vector<1280x32xf32>
    %gt3A_583 = arith.cmpf ogt, %add3A_581, %gt3A_582 : vector<1280x32xf32>
    %mul3A_584 = arith.constant 0.00999999977 : f32
    %mul3A_585 = vector.broadcast %mul3A_584 : f32 to vector<1280x32xf32>
    %mul3A_586 = arith.mulf %mul3A_585, %add3A_581 : vector<1280x32xf32>
    %select_n3A = arith.select %gt3A_583, %add3A_581, %mul3A_586 : vector<1280x32xi1>, vector<1280x32xf32>
    %mul3A_587 = arith.constant 0.999994993 : f32
    %mul3A_588 = vector.broadcast %mul3A_587 : f32 to vector<1280x32xf32>
    %mul3A_589 = arith.mulf %select_n3A, %mul3A_588 : vector<1280x32xf32>
    %get3A_590 = arith.constant 0 : index
    %get3A_591 = arith.constant 0 : index
    %get3A_592 = vector.load %arg12[%get3A_590, %get3A_591] : memref<1x32xf32, #tpu.memory_space<vmem>>, vector<1x32xf32>
    %mul3A_593 = vector.broadcast %get3A_592 : vector<1x32xf32> to vector<1280x32xf32>
    %mul3A_594 = arith.mulf %mul3A_589, %mul3A_593 : vector<1280x32xf32>
    %get3A_595 = arith.constant 0 : index
    %get3A_596 = arith.constant 0 : index
    %get3A_597 = vector.load %arg13[%get3A_595, %get3A_596] : memref<1x32xf32, #tpu.memory_space<vmem>>, vector<1x32xf32>
    %add3A_598 = vector.broadcast %get3A_597 : vector<1x32xf32> to vector<1280x32xf32>
    %add3A_599 = arith.addf %mul3A_594, %add3A_598 : vector<1280x32xf32>
    %get3A_600 = arith.constant 0 : index
    %get3A_601 = arith.constant 0 : index
    %get3A_602 = vector.load %arg14[%get3A_600, %get3A_601] : memref<32x12xf32, #tpu.memory_space<vmem>>, vector<32x12xf32>
    %dot_general3A_603 = arith.constant dense<0.000000e+00> : vector<1280x12xf32>
    %dot_general3A_604 = tpu.matmul %add3A_599, %get3A_602, %dot_general3A_603 {dimension_numbers = #tpu.dot_dimension_numbers<[1], [0], [0], [1], [0, 0, 1, 1], [], []>, transpose_lhs_hint = false} : vector<1280x32xf32>, vector<32x12xf32>, vector<1280x12xf32> -> vector<1280x12xf32>
    %get3A_605 = arith.constant 0 : index
    %get3A_606 = arith.constant 0 : index
    %get3A_607 = vector.load %arg15[%get3A_605, %get3A_606] : memref<1x12xf32, #tpu.memory_space<vmem>>, vector<1x12xf32>
    %add3A_608 = vector.broadcast %get3A_607 : vector<1x12xf32> to vector<1280x12xf32>
    %add3A_609 = arith.addf %dot_general3A_604, %add3A_608 : vector<1280x12xf32>
    %swap3A = arith.constant 0 : index
    %swap3A_610 = arith.constant 0 : index
    %swap3A_611 = vector.load %arg16[%swap3A, %swap3A_610] : memref<1280x12xf32, #tpu.memory_space<vmem>>, vector<1280x12xf32>
    tpu.vector_store %arg16[%swap3A, %swap3A_610], %add3A_609 {strides = array<i32>} : memref<1280x12xf32, #tpu.memory_space<vmem>>, vector<1280x12xf32>,
    return
  }
  func.func @transform_0(%arg0: i32) -> (i32, i32, i32) {
    %c0_i32 = arith.constant 0 : i32
    %c0_i32_0 = arith.constant 0 : i32
    %c0_i32_1 = arith.constant 0 : i32
    return %c0_i32, %arg0, %c0_i32_0 : i32, i32, i32
  }
  func.func @transform_1(%arg0: i32) -> (i32, i32, i32) {
    %c0_i32 = arith.constant 0 : i32
    %c0_i32_0 = arith.constant 0 : i32
    %c0_i32_1 = arith.constant 0 : i32
    return %c0_i32, %arg0, %c0_i32_0 : i32, i32, i32
  }
  func.func @transform_2(%arg0: i32) -> (i32, i32) {
    %c0_i32 = arith.constant 0 : i32
    %c0_i32_0 = arith.constant 0 : i32
    return %arg0, %c0_i32 : i32, i32
  }
  func.func @transform_3(%arg0: i32) -> (i32, i32) {
    %c0_i32 = arith.constant 0 : i32
    %c0_i32_0 = arith.constant 0 : i32
    return %arg0, %c0_i32 : i32, i32
  }
  func.func @transform_4(%arg0: i32) -> (i32, i32) {
    %c0_i32 = arith.constant 0 : i32
    %c0_i32_0 = arith.constant 0 : i32
    %c0_i32_1 = arith.constant 0 : i32
    return %c0_i32, %c0_i32_0 : i32, i32
  }
  func.func @transform_5(%arg0: i32) -> (i32, i32) {
    %c0_i32 = arith.constant 0 : i32
    %c0_i32_0 = arith.constant 0 : i32
    %c0_i32_1 = arith.constant 0 : i32
    return %c0_i32, %c0_i32_0 : i32, i32
  }
  func.func @transform_6(%arg0: i32) -> (i32, i32) {
    %c0_i32 = arith.constant 0 : i32
    %c0_i32_0 = arith.constant 0 : i32
    %c0_i32_1 = arith.constant 0 : i32
    return %c0_i32, %c0_i32_0 : i32, i32
  }
  func.func @transform_7(%arg0: i32) -> (i32, i32) {
    %c0_i32 = arith.constant 0 : i32
    %c0_i32_0 = arith.constant 0 : i32
    %c0_i32_1 = arith.constant 0 : i32
    return %c0_i32, %c0_i32_0 : i32, i32
  }
  func.func @transform_8(%arg0: i32) -> (i32, i32) {
    %c0_i32 = arith.constant 0 : i32
    %c0_i32_0 = arith.constant 0 : i32
    %c0_i32_1 = arith.constant 0 : i32
    return %c0_i32, %c0_i32_0 : i32, i32
  }
  func.func @transform_9(%arg0: i32) -> (i32, i32) {
    %c0_i32 = arith.constant 0 : i32
    %c0_i32_0 = arith.constant 0 : i32
    %c0_i32_1 = arith.constant 0 : i32
    return %c0_i32, %c0_i32_0 : i32, i32
  }
  func.func @transform_10(%arg0: i32) -> (i32, i32) {
    %c0_i32 = arith.constant 0 : i32
    %c0_i32_0 = arith.constant 0 : i32
    %c0_i32_1 = arith.constant 0 : i32
    return %c0_i32, %c0_i32_0 : i32, i32
  }
  func.func @transform_11(%arg0: i32) -> (i32, i32) {
    %c0_i32 = arith.constant 0 : i32
    %c0_i32_0 = arith.constant 0 : i32
    %c0_i32_1 = arith.constant 0 : i32
    return %c0_i32, %c0_i32_0 : i32, i32
  }
  func.func @transform_12(%arg0: i32) -> (i32, i32) {
    %c0_i32 = arith.constant 0 : i32
    %c0_i32_0 = arith.constant 0 : i32
    %c0_i32_1 = arith.constant 0 : i32
    return %c0_i32, %c0_i32_0 : i32, i32
  }
  func.func @transform_13(%arg0: i32) -> (i32, i32) {
    %c0_i32 = arith.constant 0 : i32
    %c0_i32_0 = arith.constant 0 : i32
    %c0_i32_1 = arith.constant 0 : i32
    return %c0_i32, %c0_i32_0 : i32, i32
  }
  func.func @transform_14(%arg0: i32) -> (i32, i32) {
    %c0_i32 = arith.constant 0 : i32
    %c0_i32_0 = arith.constant 0 : i32
    %c0_i32_1 = arith.constant 0 : i32
    return %c0_i32, %c0_i32_0 : i32, i32
  }
  func.func @transform_15(%arg0: i32) -> (i32, i32) {
    %c0_i32 = arith.constant 0 : i32
    %c0_i32_0 = arith.constant 0 : i32
    return %arg0, %c0_i32 : i32, i32
  }
}

</mosaic_0001>

<sc_bundles>
// kernel: kernel.6.cloned.1.call-start
scs
__scs_entry_jumppad:
0x0: {  	(pc) =	sbr.rel $0x88, $3  }
0x1: {  	(tag) =	ssettag $0x0;
	lr =	simm.s32 $0x1  }
0x2: {  	[smem:$0x3F92] =	sst lr;
	_ =	strace $0xD0000000  }
0x3: {  	_ = 	snop  }
0x4: {  	_ = 	snop  }
0x5: {  	_ = 	snop  }
0x6: {  	_ = 	snop  }
0x7: {  	_ = 	snop  }
__scs_overlays_trampoline_lowered:
0x8: {  	[smem:$0x3FA1] =	sst s0  }
0x9: {  	[smem:$0x3FA2] =	sst s1  }
0xa: {  	[smem:$0x3FA3] =	sst s2  }
0xb: {  	[smem:$0x3FA4] =	sst s3  }
0xc: {  	[smem:$0x3FA5] =	sst s4  }
0xd: {  	[smem:$0x3FA6] =	sst s5  }
0xe: {  	[smem:$0x3FA7] =	sst s6  }
0xf: {  	[smem:$0x3FA8] =	sst s7  }
0x10: {  	[smem:$0x3FA9] =	sst s8  }
0x11: {  	[smem:$0x3FAA] =	sst s9;
	s0 =	simm.s32 @!p0 $0x0  }
0x12: {  	s1 =	sld [smem:$0x3F90];
	s0 =	simm.s32 @p0 $0x1  }
0x13: {  	[smem:$0x3FAB] =	sst s0;
	s0 =	simm.s32 @!p1 $0x0  }
0x14: {  	s2 =	sld [smem:$0x3F8F];
	s0 =	simm.s32 @p1 $0x1  }
0x15: {  	[smem:$0x3FAC] =	sst s0;
	s0 =	simm.s32 @!p2 $0x0  }
0x16: {  	s3 =	sld [smem:$0x3FDB];
	s0 =	simm.s32 @p2 $0x1  }
0x17: {  	s4 =	simm.s32 $0x1BF5;
	[smem:$0x3FAE] =	sst s0  }
0x18: {  	s0 =	sld [smem:$0x3F91];
	_ =	swait.ge [sflag:s4], $0x0  }
0x19: {  	s7 =	sld [smem:$0x3F92]  }
0x1a: {  	s8 =	sadd.s32 $0xFFFFE003, lr  }
0x1b: {  	s9 =	sadd.s32 $0xFFFFFEF7, lr;
	s5 =	simm.s32 $0xFFFFFFFF;
	p2 =	slt.u32 s8, $0xFFFFF086  }
0x1c: {  	p1 =	slt.u32 s9, $0xF7A;
	s5 =	simm.s32 @!p2 $0x0  }
0x1d: {  	s5 =	simm.s32 @p1 $0x1;
	p0 =	seq.s32 s7, s2  }
0x1e: {  	s7 =	smul.u32 @!p0 $0xF7A, s2;
	p2 =	seq.s32 @!p0 s5, $0x0  }
0x1f: {  	s9 =	smul.u32 $0xF7A, s1;
	s8 =	simm.s32 @!p0 $0x1BF5;
	p2 =	por !p2, p0  }
0x20: {  	[sflag:s8] =	ssyncset.s32 @!p0 $0xFFFFF086;
	s6 =	sadd.s32 @!p0 s3, s7;
	s7 =	simm.s32 @!p0 $0x108  }
0x21: {  	s3 =	sadd.s32 s3, s9;
	s6 =	sadd.s32 @!p0 $0x88, s6;
	s7 =	simm.s32 @p2 $0x1082  }
0x22: {  	[simem:s7], [sflag:s8] =	dma.local @!p0 [hbm:s6], $0xF7A  }
0x23: {  	s9 =	sor.u32 $0xD0000000, s2;
	s6 =	simm.s32 $0x108;
	_ =	swait.ge @!p0 [sflag:s8], $0x0  }
0x24: {  	s3 =	sadd.s32 $0x88, s3;
	s6 =	simm.s32 @!p1 $0x1082;
	[sflag:s4] =	ssyncset.s32 $0xFFFFF086  }
0x25: {  	[simem:s6], [sflag:s4] =	dma.local [hbm:s3], $0xF7A  }
0x26: {  	[smem:$0x3F92] =	sst s1;
	(tag) =	ssettag s2;
	_ =	strace s9  }
0x27: {  	s1 =	sld [smem:$0x3FA2]  }
0x28: {  	s2 =	sld [smem:$0x3FA3]  }
0x29: {  	s4 =	sld [smem:$0x3FA5]  }
0x2a: {  	p0 =	seq.s32 s5, $0x0;
	s5 =	sld [smem:$0x3FA6]  }
0x2b: {  	s6 =	sld [smem:$0x3FA7]  }
0x2c: {  	s7 =	sld [smem:$0x3FA8]  }
0x2d: {  	s3 =	simm.s32 $0x108;
	s8 =	sld [smem:$0x3FA9]  }
0x2e: {  	s3 =	simm.s32 @!p0 $0x1082;
	s9 =	sld [smem:$0x3FAA]  }
0x2f: {  	lr =	sadd.s32 s0, s3;
	s0 =	sld [smem:$0x3FA1]  }
0x30: {  	s3 =	sld [smem:$0x3FA4]  }
0x31: {  	[smem:$0x3FAD] =	sst s10  }
0x32: {  	s10 =	sld [smem:$0x3FAB];
	_ =	sdelay $0x3  }
0x33: {  	p0 =	seq.s32 s10, $0x1;
	s10 =	sld [smem:$0x3FAD];
	_ =	sdelay $0x3  }
0x34: {  	[smem:$0x3FAD] =	sst s10  }
0x35: {  	s10 =	sld [smem:$0x3FAC];
	_ =	sdelay $0x3  }
0x36: {  	p1 =	seq.s32 s10, $0x1;
	s10 =	sld [smem:$0x3FAD];
	_ =	sdelay $0x3  }
0x37: {  	[smem:$0x3FAD] =	sst s10  }
0x38: {  	s10 =	sld [smem:$0x3FAE]  }
0x39: {  	_ = 	snop;
	(pc) =	sbr.ind lr, $3  }
0x3a: {  	_ = 	snop  }
0x3b: {  	_ = 	snop  }
0x3c: {  	p2 =	seq.s32 s10, $0x1;
	s10 =	sld [smem:$0x3FAD]  }
0x3d: {  	_ =	shalt  }
0x3e: {  	_ =	shalt  }
0x3f: {  	_ =	shalt  }
0x40: {  	_ =	shalt  }
0x41: {  	_ =	shalt  }
0x42: {  	_ =	shalt  }
0x43: {  	_ =	shalt  }
0x44: {  	_ =	shalt  }
0x45: {  	_ =	shalt  }
0x46: {  	_ =	shalt  }
0x47: {  	_ =	shalt  }
0x48: {  	_ =	shalt  }
0x49: {  	_ =	shalt  }
0x4a: {  	_ =	shalt  }
0x4b: {  	_ =	shalt  }
0x4c: {  	_ =	shalt  }
0x4d: {  	_ =	shalt  }
0x4e: {  	_ =	shalt  }
0x4f: {  	_ =	shalt  }
0x50: {  	_ =	shalt  }
0x51: {  	_ =	shalt  }
0x52: {  	_ =	shalt  }
0x53: {  	_ =	shalt  }
0x54: {  	_ =	shalt  }
0x55: {  	_ =	shalt  }
0x56: {  	_ =	shalt  }
0x57: {  	_ =	shalt  }
0x58: {  	_ =	shalt  }
0x59: {  	_ =	shalt  }
0x5a: {  	_ =	shalt  }
0x5b: {  	_ =	shalt  }
0x5c: {  	_ =	shalt  }
0x5d: {  	_ =	shalt  }
0x5e: {  	_ =	shalt  }
0x5f: {  	_ =	shalt  }
0x60: {  	_ =	shalt  }
0x61: {  	_ =	shalt  }
0x62: {  	_ =	shalt  }
0x63: {  	_ =	shalt  }
0x64: {  	_ =	shalt  }
0x65: {  	_ =	shalt  }
0x66: {  	_ =	shalt  }
0x67: {  	_ =	shalt  }
0x68: {  	_ =	shalt  }
0x69: {  	_ =	shalt  }
0x6a: {  	_ =	shalt  }
0x6b: {  	_ =	shalt  }
0x6c: {  	_ =	shalt  }
0x6d: {  	_ =	shalt  }
0x6e: {  	_ =	shalt  }
0x6f: {  	_ =	shalt  }
0x70: {  	_ =	shalt  }
0x71: {  	_ =	shalt  }
0x72: {  	_ =	shalt  }
0x73: {  	_ =	shalt  }
0x74: {  	_ =	shalt  }
0x75: {  	_ =	shalt  }
0x76: {  	_ =	shalt  }
0x77: {  	_ =	shalt  }
0x78: {  	_ =	shalt  }
0x79: {  	_ =	shalt  }
0x7a: {  	_ =	shalt  }
0x7b: {  	_ =	shalt  }
0x7c: {  	_ =	shalt  }
0x7d: {  	_ =	shalt  }
0x7e: {  	_ =	shalt  }
0x7f: {  	_ =	shalt  }
0x80: {  	_ =	shalt  }
0x81: {  	_ =	shalt  }
0x82: {  	_ =	shalt  }
0x83: {  	_ =	shalt  }
0x84: {  	_ =	shalt  }
0x85: {  	_ =	shalt  }
0x86: {  	_ =	shalt  }
0x87: {  	_ =	shalt  }
.Lfunc_end0:
.L_simem_size_0:
called_computation_lowered:
.L_overlay_start_0:
0x88: {  	s2 =	sld [smem:$0x3FD9]  }
0x89: {  	s3 =	sld [smem:$0x3FFE];
	_ =	sdelay $0x1  }
0x8a: {  	s1 =	srdreg.scid  }
0x8b: {  	s0 =	sand.u32 $0x1, s1  }
0x8c: {  	s17 =	sshll.u32 s0, $0xA;
	s2 =	sadd.s32 s3, s2  }
0x8d: {  	s2 =	sadd.s32 s2, s17  }
0x8e: {  	[smem:$0x3FB9] =	sst s2  }
0x8f: {  	_ = 	snop  }
0x90: {  	s2 =	sld [smem:$0x3FD0];
	(tm) =	ssettm $0x1  }
0x91: {  	s18 =	sld [smem:$0x3FFB];
	_ =	sdelay $0x3  }
0x92: {  	_ =	strace s18  }
0x93: {  	s3 =	sld [smem:$0x3FFC];
	_ =	sdelay $0x3  }
0x94: {  	_ =	strace s3  }
0x95: {  	s3 =	sld [smem:$0x3FFD];
	_ =	sdelay $0x3  }
0x96: {  	_ =	strace s3  }
0x97: {  	_ =	strace $0x8FFFFFFF  }
0x98: {  	s19 =	sld [smem:$0x3FDB];
	_ =	sdelay $0x1  }
0x99: {  	s4 =	simm.s32 $_scs_section_size  }
0x9a: {  	s5 =	simm.s32 $_size__tile_overlayer_lowered;
	s6 =	simm.s32 $_tile_overlayer_lowered  }
0x9b: {  	s22 =	simm.s32 $0x1BFF;
	s21 =	sshll.u32 s6, $0x1;
	s3 =	sadd.s32 s4, s19  }
0x9c: {  	s7 =	simm.s32 $0x0;
	s20 =	sshll.u32 s5, $0x1;
	s5 =	sadd.s32 s21, s3  }
0x9d: {  	[timem:s7], [sflag:s22] =	dma.local [hbm:s5], s20  }
0x9e: {  	_ =	swait.ge [sflag:s22], s20  }
0x9f: {  	s4 =	ssub.s32 $0x0, s20;
	[sflag:s22] =	ssyncset.done $0x0  }
0xa0: {  	[sflag:s22] =	ssyncadd.s32 s4;
	_ =	sdelay $0x1  }
0xa1: {  	s23 =	simm.s32 $0x1B8B  }
0xa2: {  	_ =	swait.ge [sflag:s23], $0x1  }
0xa3: {  	[sflag:s23] =	ssyncset.done $0x0  }
0xa4: {  	s25 =	simm.s32 $0x1B8E;
	s24 =	sld [smem:$0x3FFE];
	[sflag:s23] =	ssyncadd.s32 $0xFFFFFFFF  }
0xa5: {  	s26 =	simm.s32 $execute0_lowered;
	[smem:$0x3FD2] =	sst s25  }
0xa6: {  	s5 =	sshll.u32 s26, $0x1;
	_ =	strace $0x80000046;
	[dreg:$0x1] =	wrdreg $0xFFFFFFFF  }
0xa7: {  	s28 =	simm.s32 $_size_execute0_lowered;
	s3 =	sadd.s32 s3, s5;
	[dreg:$0x0] =	wrdreg $0x0  }
0xa8: {  	s5 =	sshll.u32 s28, $0x1;
	[dreg:$0x2] =	wrdreg s3  }
0xa9: {  	[dreg:$0x3] =	wrdreg s5  }
0xaa: {  	[dreg:$0x4] =	wrdreg $0xC0  }
0xab: {  	_ =	task [dreg:s7], $0x5FFFF  }
0xac: {  	[dreg:$0x1] =	wrdreg $0xFFFFFFFF  }
0xad: {  	[dreg:$0x0] =	wrdreg $0x60  }
0xae: {  	[dreg:$0x2] =	wrdreg s24  }
0xaf: {  	[dreg:$0x3] =	wrdreg s2  }
0xb0: {  	[dreg:$0x4] =	wrdreg $0x68000  }
0xb1: {  	[dreg:$0x5] =	wrdreg $0x9  }
0xb2: {  	_ =	task.clear_ibuf [dreg:s7], $0x6FFFF;
	_ =	strace $0x90000046  }
0xb3: {  	s29 =	simm.s32 $0x9;
	_ =	strace $0x80000048  }
0xb4: {  	_ =	swait.ge [sflag:s29], $0x1  }
0xb5: {  	[sflag:s29] =	ssyncadd.s32 $0xFFFFFFFF  }
0xb6: {  	_ =	strace $0x90000048  }
0xb7: {  	_ =	sfence  }
0xb8: {  	s30 =	sld [smem:$0x0];
	_ =	sdelay $0x2  }
0xb9: {  	s31 =	sshll.u32 s1, $0xD;
	s1 =	sshrl.u32 s1, $0x2  }
0xba: {  	s3 =	sand.u32 $0x4000, s31;
	s1 =	sadd.s32 s1, s30  }
0xbb: {  	s0 =	sor.u32 s3, s0;
	s1 =	sshll.u32 s1, $0x11  }
0xbc: {  	s0 =	sor.u32 s1, s0  }
0xbd: {  	s0 =	sadd.s32 $0x8F2B, s0  }
0xbe: {  	[sflag:s0] =	ssyncadd.remote.s32 $0x1  }
0xbf: {  	_ =	sfence.sel $0xFFFF  }
0xc0: {  	[dreg:$0x0] =	wrdreg $0xFFFFFFFF;
	(pc) =	sbr.abs _section_cstart, $3  }
0xc1: {  	[dreg:$0x1] =	wrdreg $0xFFFFFFFF  }
0xc2: {  	_ =	task.clear_ibuf [dreg:s7], $0x2FFFF;
	_ =	strace $0x9FFFFFFF  }
0xc3: {  	(tm) =	ssettm $0x7FFFFFFF  }
tec
execute0_lowered:
.L_overlay_start_1:
0x0: {  	(tag) =	ssettag $0x1  }
0x1: {  	s5 =	rddreg [dreg:$0x0]  }
0x2: {  	s0 =	srdreg.scid;
	s2 =	rddreg [dreg:$0x1]  }
0x3: {  	s3 =	rddreg [dreg:$0x2];
	s6 =	sand.u32 $0x1, s0;
	s0 =	stileid.u32  }
0x4: {  	s4 =	simm.s32 $0x0;
	s13 =	simm.s32 $0x80;
	s8 =	smul.u32 $0x2800, s0  }
0x5: {  	s14 =	simm.s32 $0x0;
	[smem:$0x7FF] =	sst s4;
	s9 =	smul.u32 $0x28000, s6  }
0x6: {  	s1 =	sshll.u32 s6, $0x4;
	s6 =	ssub.s32 $0x2, s6;
	s10 =	smul.u32 $0x50000, s0  }
0x7: {  	s31 =	sshll.u32 s0, $0x6;
	s7 =	sor.u32 s0, s1;
	s1 =	rddreg [dreg:$0x3]  }
0x8: {  	_ =	strace $0x80000047;
	s29 =	sshrl.u32 s6, $0x1;
	s7 =	smul.u32 $0x500, s7  }
0x9: {  	s11 =	sadd.s32 s8, s5;
	s8 =	sadd.s32 s8, s9;
	s9 =	ssub.s32 s6, s29  }
0xa: {  	s30 =	sshrl.u32 s10, $0x2;
	s10 =	simm.s32 $0x1;
	s8 =	sadd.s32 s8, s5  }
0xb: {  	s12 =	sadd.s32 s30, s3;
	s6 =	sadd.s32 $0xBE00, s11;
	s7 =	sadd.s32 s7, s5  }
0xc: {  	s11 =	sor.u32 $0x1C01, s31;
	s12 =	sshrl.u32 s12, $0x3;
	s5 =	sadd.s32 $0x1E00, s7  }
0xd: {  	s7 =	sadd.s32 $0x33E00, s8;
	s8 =	smax.u32 s9, $0x1;
	s9 =	simm.s32 $0x2800  }
.LBB2_1:
0xe: {  	[tilespmem:s9], [sflag:$0x1] =	stream.linear.gather [hbm4b:s2+s4], $0x4000, $0x38;
	[tilespmem:$0x1A800] =	vst v63  }
0xf: {  	_ =	swait.ge [sflag:s10], $0x4000  }
0x10: {  	[sflag:s10] =	ssyncset.done $0x0  }
0x11: {  	[sflag:s10] =	ssyncadd.s32 $0xFFFFC000  }
0x12: {  	[tilespmem:s4], [sflag:$0x1] =	stream.linear.gather [hbm4b:s5+s4], $0x2800, $0x38;
	[tilespmem:$0x1A800] =	vst v63  }
0x13: {  	_ =	swait.ge [sflag:s10], $0x2800  }
0x14: {  	[sflag:s10] =	ssyncset.done $0x0  }
0x15: {  	[sflag:s10] =	ssyncadd.s32 $0xFFFFD800  }
0x16: {  	[spmem:s12], [sflag:s11] =	dma.local [hbm:s6], $0x2800  }
0x17: {  	_ =	swait.ge [sflag:s10], $0x2800  }
0x18: {  	[sflag:s10] =	ssyncset.done $0x0  }
0x19: {  	[sflag:s10] =	ssyncadd.s32 $0xFFFFD800  }
0x1a: {  	s15 =	simm.s32 $0x0;
	[bflag:$0x0] =	sbarrier.arrive $0xFFFF  }
0x1b: {  	[spmem:s3] =	stream.indirect.scatter.add.f32 [tilespmem:s9], [sflag:$0x1], $0x80, s15, s13, $0xb8;
	[tilespmem:$0x1A800] =	vst v63  }
0x1c: {  	_ =	swait.ge [sflag:s10], $0x4000  }
0x1d: {  	s15 =	simm.s32 $0x200;
	[sflag:s10] =	ssyncset.done $0x0  }
.LBB2_2:
0x1e: {  	s16 =	sshra.s32 s15, $0x2;
	[sflag:s10] =	ssyncadd.s32 $0xFFFFC000;
	p0 =	sne.s32 s15, $0x9E00  }
0x1f: {  	[spmem:s3] =	stream.indirect.scatter.add.f32 [tilespmem:s9], [sflag:$0x1], $0x80, s16, s13, $0xb8;
	[tilespmem:$0x1A800] =	vst v63  }
.Ltmp0:
0x20: {  	_ = 	snop;
	(pc) =	sbr.rel @p0 .LBB2_2-.Ltmp0, $4  }
0x21: {  	_ = 	snop  }
0x22: {  	s15 =	sadd.s32 $0x200, s15  }
0x23: {  	_ =	swait.ge [sflag:s10], $0x4000  }
0x24: {  	[sflag:s10] =	ssyncset.done $0x0  }
0x25: {  	s14 =	sadd.s32 $0x1, s14  }
0x26: {  	[sflag:s10] =	ssyncadd.s32 $0xFFFFC000;
	p0 =	sne.s32 s14, s8  }
.Ltmp1:
0x27: {  	[bflag:$0x0] =	sbarrier.arrive $0xFFFF;
	(pc) =	sbr.rel @p0 .LBB2_1-.Ltmp1, $4  }
0x28: {  	[hbm:s7], [sflag:s11] =	dma.local [spmem:s12], $0x2800  }
0x29: {  	_ =	swait.ge [sflag:s10], $0x2800  }
0x2a: {  	[sflag:s10] =	ssyncset.done $0x0  }
0x2b: {  	[sflag:s10] =	ssyncadd.s32 $0xFFFFD800  }
0x2c: {  	_ =	sfence.sel $0x180000  }
0x2d: {  	[bflag:$0x0] =	sbarrier.arrive $0xFFFF  }
0x2e: {  	p0 =	sne.s32 s0, $0x0;
	_ =	strace $0x90000047  }
0x2f: {  	s0 =	sadd.s32 @!p0 $0x100000, s1;
	[bflag:$0x2] =	sbarrier.arrive $0xFFFF  }
0x30: {  	[sflag:s0] =	ssyncadd.tile.s32 @!p0 $0x1;
	_ =	shalt  }
.Lfunc_end2:
_tile_overlayer_lowered:
.L_overlay_start_2:
0x31: {  	(tag) =	ssettag $0x2  }
0x32: {  	s0 =	rddreg [dreg:$0x0];
	s2 =	stileid.u32  }
0x33: {  	s1 =	rddreg [dreg:$0x1];
	p0 =	sne.s32 s2, $0x0  }
0x34: {  	s3 =	rddreg [dreg:$0x2];
	[bflag:$0x3] =	sbarrier.arrive $0xFFFF;
	s2 =	simm.s32 @!p0 $0x1C01  }
0x35: {  	[timem:s3], [sflag:s2] =	dma.local @!p0 [hbm:s0], s1  }
0x36: {  	s0 =	simm.s32 @!p0 $0x1  }
0x37: {  	_ =	swait.ge @!p0 [sflag:s0], s1  }
0x38: {  	s1 =	ssub.s32 @!p0 $0x0, s1;
	[sflag:s0] =	ssyncset.done @!p0 $0x0  }
0x39: {  	[sflag:s0] =	ssyncadd.s32 @!p0 s1  }
0x3a: {  	[bflag:$0x3] =	sbarrier.arrive $0xFFFF  }
0x3b: {  	_ =	shalt  }

// kernel: kernel.9.cloned.1.call-start
scs
__scs_entry_jumppad:
0x0: {  	(pc) =	sbr.rel $0x88, $3  }
0x1: {  	(tag) =	ssettag $0x0;
	lr =	simm.s32 $0x1  }
0x2: {  	[smem:$0x3F92] =	sst lr;
	_ =	strace $0xD0000000  }
0x3: {  	_ = 	snop  }
0x4: {  	_ = 	snop  }
0x5: {  	_ = 	snop  }
0x6: {  	_ = 	snop  }
0x7: {  	_ = 	snop  }
__scs_overlays_trampoline_lowered:
0x8: {  	[smem:$0x3FA1] =	sst s0  }
0x9: {  	[smem:$0x3FA2] =	sst s1  }
0xa: {  	[smem:$0x3FA3] =	sst s2  }
0xb: {  	[smem:$0x3FA4] =	sst s3  }
0xc: {  	[smem:$0x3FA5] =	sst s4  }
0xd: {  	[smem:$0x3FA6] =	sst s5  }
0xe: {  	[smem:$0x3FA7] =	sst s6  }
0xf: {  	[smem:$0x3FA8] =	sst s7  }
0x10: {  	[smem:$0x3FA9] =	sst s8  }
0x11: {  	[smem:$0x3FAA] =	sst s9;
	s0 =	simm.s32 @!p0 $0x0  }
0x12: {  	s1 =	sld [smem:$0x3F90];
	s0 =	simm.s32 @p0 $0x1  }
0x13: {  	[smem:$0x3FAB] =	sst s0;
	s0 =	simm.s32 @!p1 $0x0  }
0x14: {  	s2 =	sld [smem:$0x3F8F];
	s0 =	simm.s32 @p1 $0x1  }
0x15: {  	[smem:$0x3FAC] =	sst s0;
	s0 =	simm.s32 @!p2 $0x0  }
0x16: {  	s3 =	sld [smem:$0x3FDB];
	s0 =	simm.s32 @p2 $0x1  }
0x17: {  	s4 =	simm.s32 $0x1BF5;
	[smem:$0x3FAE] =	sst s0  }
0x18: {  	s0 =	sld [smem:$0x3F91];
	_ =	swait.ge [sflag:s4], $0x0  }
0x19: {  	s7 =	sld [smem:$0x3F92]  }
0x1a: {  	s8 =	sadd.s32 $0xFFFFE003, lr  }
0x1b: {  	s9 =	sadd.s32 $0xFFFFFEF7, lr;
	s5 =	simm.s32 $0xFFFFFFFF;
	p2 =	slt.u32 s8, $0xFFFFF086  }
0x1c: {  	p1 =	slt.u32 s9, $0xF7A;
	s5 =	simm.s32 @!p2 $0x0  }
0x1d: {  	s5 =	simm.s32 @p1 $0x1;
	p0 =	seq.s32 s7, s2  }
0x1e: {  	s7 =	smul.u32 @!p0 $0xF7A, s2;
	p2 =	seq.s32 @!p0 s5, $0x0  }
0x1f: {  	s9 =	smul.u32 $0xF7A, s1;
	s8 =	simm.s32 @!p0 $0x1BF5;
	p2 =	por !p2, p0  }
0x20: {  	[sflag:s8] =	ssyncset.s32 @!p0 $0xFFFFF086;
	s6 =	sadd.s32 @!p0 s3, s7;
	s7 =	simm.s32 @!p0 $0x108  }
0x21: {  	s3 =	sadd.s32 s3, s9;
	s6 =	sadd.s32 @!p0 $0x88, s6;
	s7 =	simm.s32 @p2 $0x1082  }
0x22: {  	[simem:s7], [sflag:s8] =	dma.local @!p0 [hbm:s6], $0xF7A  }
0x23: {  	s9 =	sor.u32 $0xD0000000, s2;
	s6 =	simm.s32 $0x108;
	_ =	swait.ge @!p0 [sflag:s8], $0x0  }
0x24: {  	s3 =	sadd.s32 $0x88, s3;
	s6 =	simm.s32 @!p1 $0x1082;
	[sflag:s4] =	ssyncset.s32 $0xFFFFF086  }
0x25: {  	[simem:s6], [sflag:s4] =	dma.local [hbm:s3], $0xF7A  }
0x26: {  	[smem:$0x3F92] =	sst s1;
	(tag) =	ssettag s2;
	_ =	strace s9  }
0x27: {  	s1 =	sld [smem:$0x3FA2]  }
0x28: {  	s2 =	sld [smem:$0x3FA3]  }
0x29: {  	s4 =	sld [smem:$0x3FA5]  }
0x2a: {  	p0 =	seq.s32 s5, $0x0;
	s5 =	sld [smem:$0x3FA6]  }
0x2b: {  	s6 =	sld [smem:$0x3FA7]  }
0x2c: {  	s7 =	sld [smem:$0x3FA8]  }
0x2d: {  	s3 =	simm.s32 $0x108;
	s8 =	sld [smem:$0x3FA9]  }
0x2e: {  	s3 =	simm.s32 @!p0 $0x1082;
	s9 =	sld [smem:$0x3FAA]  }
0x2f: {  	lr =	sadd.s32 s0, s3;
	s0 =	sld [smem:$0x3FA1]  }
0x30: {  	s3 =	sld [smem:$0x3FA4]  }
0x31: {  	[smem:$0x3FAD] =	sst s10  }
0x32: {  	s10 =	sld [smem:$0x3FAB];
	_ =	sdelay $0x3  }
0x33: {  	p0 =	seq.s32 s10, $0x1;
	s10 =	sld [smem:$0x3FAD];
	_ =	sdelay $0x3  }
0x34: {  	[smem:$0x3FAD] =	sst s10  }
0x35: {  	s10 =	sld [smem:$0x3FAC];
	_ =	sdelay $0x3  }
0x36: {  	p1 =	seq.s32 s10, $0x1;
	s10 =	sld [smem:$0x3FAD];
	_ =	sdelay $0x3  }
0x37: {  	[smem:$0x3FAD] =	sst s10  }
0x38: {  	s10 =	sld [smem:$0x3FAE]  }
0x39: {  	_ = 	snop;
	(pc) =	sbr.ind lr, $3  }
0x3a: {  	_ = 	snop  }
0x3b: {  	_ = 	snop  }
0x3c: {  	p2 =	seq.s32 s10, $0x1;
	s10 =	sld [smem:$0x3FAD]  }
0x3d: {  	_ =	shalt  }
0x3e: {  	_ =	shalt  }
0x3f: {  	_ =	shalt  }
0x40: {  	_ =	shalt  }
0x41: {  	_ =	shalt  }
0x42: {  	_ =	shalt  }
0x43: {  	_ =	shalt  }
0x44: {  	_ =	shalt  }
0x45: {  	_ =	shalt  }
0x46: {  	_ =	shalt  }
0x47: {  	_ =	shalt  }
0x48: {  	_ =	shalt  }
0x49: {  	_ =	shalt  }
0x4a: {  	_ =	shalt  }
0x4b: {  	_ =	shalt  }
0x4c: {  	_ =	shalt  }
0x4d: {  	_ =	shalt  }
0x4e: {  	_ =	shalt  }
0x4f: {  	_ =	shalt  }
0x50: {  	_ =	shalt  }
0x51: {  	_ =	shalt  }
0x52: {  	_ =	shalt  }
0x53: {  	_ =	shalt  }
0x54: {  	_ =	shalt  }
0x55: {  	_ =	shalt  }
0x56: {  	_ =	shalt  }
0x57: {  	_ =	shalt  }
0x58: {  	_ =	shalt  }
0x59: {  	_ =	shalt  }
0x5a: {  	_ =	shalt  }
0x5b: {  	_ =	shalt  }
0x5c: {  	_ =	shalt  }
0x5d: {  	_ =	shalt  }
0x5e: {  	_ =	shalt  }
0x5f: {  	_ =	shalt  }
0x60: {  	_ =	shalt  }
0x61: {  	_ =	shalt  }
0x62: {  	_ =	shalt  }
0x63: {  	_ =	shalt  }
0x64: {  	_ =	shalt  }
0x65: {  	_ =	shalt  }
0x66: {  	_ =	shalt  }
0x67: {  	_ =	shalt  }
0x68: {  	_ =	shalt  }
0x69: {  	_ =	shalt  }
0x6a: {  	_ =	shalt  }
0x6b: {  	_ =	shalt  }
0x6c: {  	_ =	shalt  }
0x6d: {  	_ =	shalt  }
0x6e: {  	_ =	shalt  }
0x6f: {  	_ =	shalt  }
0x70: {  	_ =	shalt  }
0x71: {  	_ =	shalt  }
0x72: {  	_ =	shalt  }
0x73: {  	_ =	shalt  }
0x74: {  	_ =	shalt  }
0x75: {  	_ =	shalt  }
0x76: {  	_ =	shalt  }
0x77: {  	_ =	shalt  }
0x78: {  	_ =	shalt  }
0x79: {  	_ =	shalt  }
0x7a: {  	_ =	shalt  }
0x7b: {  	_ =	shalt  }
0x7c: {  	_ =	shalt  }
0x7d: {  	_ =	shalt  }
0x7e: {  	_ =	shalt  }
0x7f: {  	_ =	shalt  }
0x80: {  	_ =	shalt  }
0x81: {  	_ =	shalt  }
0x82: {  	_ =	shalt  }
0x83: {  	_ =	shalt  }
0x84: {  	_ =	shalt  }
0x85: {  	_ =	shalt  }
0x86: {  	_ =	shalt  }
0x87: {  	_ =	shalt  }
.Lfunc_end0:
.L_simem_size_0:
called_computation.1_lowered:
.L_overlay_start_0:
0x88: {  	s2 =	sld [smem:$0x3FD9]  }
0x89: {  	s3 =	sld [smem:$0x3FFE];
	_ =	sdelay $0x1  }
0x8a: {  	s1 =	srdreg.scid  }
0x8b: {  	s0 =	sand.u32 $0x1, s1  }
0x8c: {  	s16 =	sshll.u32 s0, $0xA;
	s2 =	sadd.s32 s3, s2  }
0x8d: {  	s2 =	sadd.s32 s2, s16  }
0x8e: {  	[smem:$0x3FB9] =	sst s2  }
0x8f: {  	_ = 	snop  }
0x90: {  	(tm) =	ssettm $0x1  }
0x91: {  	s17 =	sld [smem:$0x3FFB];
	_ =	sdelay $0x3  }
0x92: {  	_ =	strace s17  }
0x93: {  	s2 =	sld [smem:$0x3FFC];
	_ =	sdelay $0x3  }
0x94: {  	_ =	strace s2  }
0x95: {  	s2 =	sld [smem:$0x3FFD];
	_ =	sdelay $0x3  }
0x96: {  	_ =	strace s2  }
0x97: {  	_ =	strace $0x8FFFFFFF  }
0x98: {  	s18 =	sld [smem:$0x3FDB];
	_ =	sdelay $0x1  }
0x99: {  	s19 =	simm.s32 $_scs_section_size  }
0x9a: {  	s4 =	simm.s32 $_size__tile_overlayer_lowered;
	s5 =	simm.s32 $_tile_overlayer_lowered  }
0x9b: {  	s22 =	simm.s32 $0x1BFF;
	s21 =	sshll.u32 s5, $0x1;
	s2 =	sadd.s32 s19, s18  }
0x9c: {  	s6 =	simm.s32 $0x0;
	s20 =	sshll.u32 s4, $0x1;
	s4 =	sadd.s32 s21, s2  }
0x9d: {  	[timem:s6], [sflag:s22] =	dma.local [hbm:s4], s20  }
0x9e: {  	_ =	swait.ge [sflag:s22], s20  }
0x9f: {  	s3 =	ssub.s32 $0x0, s20;
	[sflag:s22] =	ssyncset.done $0x0  }
0xa0: {  	[sflag:s22] =	ssyncadd.s32 s3;
	_ =	sdelay $0x1  }
0xa1: {  	s23 =	simm.s32 $0x1B8B  }
0xa2: {  	_ =	swait.ge [sflag:s23], $0x1  }
0xa3: {  	[sflag:s23] =	ssyncset.done $0x0  }
0xa4: {  	s25 =	simm.s32 $0x1B8E;
	s24 =	sld [smem:$0x3FFE];
	[sflag:s23] =	ssyncadd.s32 $0xFFFFFFFF  }
0xa5: {  	s26 =	simm.s32 $execute0_lowered;
	[smem:$0x3FD2] =	sst s25  }
0xa6: {  	s4 =	sshll.u32 s26, $0x1;
	_ =	strace $0x80000049;
	[dreg:$0x1] =	wrdreg $0xFFFFFFFF  }
0xa7: {  	s28 =	simm.s32 $_size_execute0_lowered;
	s2 =	sadd.s32 s2, s4;
	[dreg:$0x0] =	wrdreg $0x0  }
0xa8: {  	s4 =	sshll.u32 s28, $0x1;
	[dreg:$0x2] =	wrdreg s2  }
0xa9: {  	[dreg:$0x3] =	wrdreg s4  }
0xaa: {  	[dreg:$0x4] =	wrdreg $0xC0  }
0xab: {  	_ =	task [dreg:s6], $0x5FFFF  }
0xac: {  	[dreg:$0x1] =	wrdreg $0xFFFFFFFF  }
0xad: {  	[dreg:$0x0] =	wrdreg $0x60  }
0xae: {  	[dreg:$0x2] =	wrdreg s24  }
0xaf: {  	[dreg:$0x3] =	wrdreg $0x41000  }
0xb0: {  	[dreg:$0x4] =	wrdreg $0x9  }
0xb1: {  	_ =	task.clear_ibuf [dreg:s6], $0x5FFFF;
	_ =	strace $0x90000049  }
0xb2: {  	s29 =	simm.s32 $0x9;
	_ =	strace $0x8000004B  }
0xb3: {  	_ =	swait.ge [sflag:s29], $0x1  }
0xb4: {  	[sflag:s29] =	ssyncadd.s32 $0xFFFFFFFF  }
0xb5: {  	_ =	strace $0x9000004B  }
0xb6: {  	_ =	sfence  }
0xb7: {  	s30 =	sld [smem:$0x0];
	_ =	sdelay $0x2  }
0xb8: {  	s31 =	sshll.u32 s1, $0xD;
	s1 =	sshrl.u32 s1, $0x2  }
0xb9: {  	s3 =	sand.u32 $0x4000, s31;
	s1 =	sadd.s32 s1, s30  }
0xba: {  	s0 =	sor.u32 s3, s0;
	s1 =	sshll.u32 s1, $0x11  }
0xbb: {  	s0 =	sor.u32 s1, s0  }
0xbc: {  	s0 =	sadd.s32 $0x8F2B, s0  }
0xbd: {  	[sflag:s0] =	ssyncadd.remote.s32 $0x1  }
0xbe: {  	_ =	sfence.sel $0xFFFF  }
0xbf: {  	[dreg:$0x0] =	wrdreg $0xFFFFFFFF;
	(pc) =	sbr.abs _section_cstart, $3  }
0xc0: {  	[dreg:$0x1] =	wrdreg $0xFFFFFFFF  }
0xc1: {  	_ =	task.clear_ibuf [dreg:s6], $0x2FFFF;
	_ =	strace $0x9FFFFFFF  }
0xc2: {  	(tm) =	ssettm $0x7FFFFFFF  }
0xc3: {  	_ =	shalt  }
tec
execute0_lowered:
.L_overlay_start_1:
0x0: {  	(tag) =	ssettag $0x1  }
0x1: {  	s7 =	rddreg [dreg:$0x0]  }
0x2: {  	s2 =	rddreg [dreg:$0x1]  }
0x3: {  	s0 =	rddreg [dreg:$0x2];
	s3 =	simm.s32 $0x0;
	s1 =	stileid.u32  }
0x4: {  	s5 =	srdreg.scid;
	s18 =	simm.s32 $0x2;
	s19 =	simm.s32 $0x80  }
0x5: {  	s20 =	simm.s32 $0x100;
	s21 =	simm.s32 $0x1;
	s4 =	smul.u32 $0x9D0, s1  }
0x6: {  	s22 =	simm.s32 $0x0;
	[smem:$0x7FF] =	sst s3;
	s8 =	smul.u32 $0x2800, s1  }
0x7: {  	s9 =	sand.u32 $0x1, s5;
	s10 =	smul.u32 $0x280, s1;
	s5 =	sadd.s32 $0x26DC00, s7  }
0x8: {  	s6 =	sadd.s32 $0x2A8A00, s7;
	s12 =	smul.u32 $0x50000, s1;
	s31 =	sshll.u32 s1, $0x6  }
0x9: {  	_ =	strace $0x8000004A;
	s11 =	smul.u32 $0x7800, s9;
	s30 =	ssub.s32 $0x2, s9  }
0xa: {  	s16 =	smul.u32 $0x1D700, s9;
	s14 =	sadd.s32 s4, s7;
	s8 =	sadd.s32 s8, s7  }
0xb: {  	s13 =	sshrl.u32 s30, $0x1;
	s12 =	sshrl.u32 s12, $0x2;
	s10 =	sadd.s32 s10, s11  }
0xc: {  	s13 =	ssub.s32 s30, s13;
	s17 =	sadd.s32 s12, s2;
	s14 =	sadd.s32 $0x263E00, s14  }
0xd: {  	s10 =	sshll.u32 s10, $0x4;
	s12 =	smax.u32 s13, $0x1;
	s13 =	sadd.s32 s16, s4  }
0xe: {  	s17 =	sshrl.u32 s17, $0x3;
	s15 =	sadd.s32 s10, s7;
	s7 =	sadd.s32 $0xBE00, s8  }
0xf: {  	s8 =	sor.u32 $0x1C02, s31;
	s16 =	sadd.s32 $0x13A00, s13;
	s9 =	sadd.s32 $0x33E00, s15  }
0x10: {  	s10 =	sadd.s32 $0x5BE00, s15;
	s11 =	sadd.s32 $0x83E00, s15;
	s15 =	sadd.s32 $0x9D00, s13  }
.LBB2_1:
0x11: {  	[spmem:s17], [sflag:s8] =	dma.local [hbm:s7], $0x2800  }
0x12: {  	s23 =	sadd.s32 $0x0, s4;
	_ =	swait.ge [sflag:s18], $0x2800  }
0x13: {  	s24 =	sadd.s32 $0x0, s13;
	s23 =	sand.u32 $0x70, s23;
	[sflag:s18] =	ssyncset.done $0x0  }
0x14: {  	s24 =	sand.u32 $0x3FF80, s24;
	s23 =	sadd.s32 s5, s23;
	[sflag:s18] =	ssyncadd.s32 $0xFFFFD800  }
0x15: {  	s23 =	sadd.s32 s24, s23;
	[bflag:$0x0] =	sbarrier.arrive $0xFFFF  }
0x16: {  	[tilespmem:s3], [sflag:$0x2] =	stream.linear.gather [hbm4b:s23+s3], $0x80, $0x38;
	[tilespmem:$0x18100] =	vst v63  }
0x17: {  	_ =	swait.ge [sflag:s18], $0x80  }
0x18: {  	[sflag:s18] =	ssyncset.done $0x0  }
0x19: {  	s31 =	sadd.s32 $0x0, s14;
	[sflag:s18] =	ssyncadd.s32 $0xFFFFFF80  }
0x1a: {  	[tilespmem:s19], [sflag:$0x2] =	stream.linear.gather [hbm4b:s31+s3], $0x80, $0x38;
	[tilespmem:$0x18100] =	vst v63  }
0x1b: {  	_ =	swait.ge [sflag:s18], $0x80  }
0x1c: {  	[sflag:s18] =	ssyncset.done $0x0  }
0x1d: {  	[sflag:s18] =	ssyncadd.s32 $0xFFFFFF80  }
0x1e: {  	[tilespmem:s20], [sflag:$0x1] =	stream.indirect.gather [hbm4b:s6+s19], $0x80, s3, s19, $0xb8;
	[tilespmem:$0x18100] =	vst v63  }
0x1f: {  	_ =	swait.ge [sflag:s21], $0x4000  }
0x20: {  	s25 =	sadd.s32 $0x10, s4;
	[sflag:s21] =	ssyncset.done $0x0  }
0x21: {  	s26 =	sadd.s32 $0x10, s13;
	s28 =	sand.u32 $0x70, s25;
	[sflag:s21] =	ssyncadd.s32 $0xFFFFC000  }
0x22: {  	[spmem:s2] =	stream.indirect.scatter.add.f32 [tilespmem:s20], [sflag:$0x2], $0x80, s19, s19, $0xb8;
	[tilespmem:$0x18100] =	vst v63  }
0x23: {  	s25 =	sand.u32 $0x3FF80, s26;
	s26 =	sadd.s32 s5, s28;
	_ =	swait.ge [sflag:s18], $0x4000  }
0x24: {  	s24 =	simm.s32 $0x20;
	s23 =	simm.s32 $0x10;
	[sflag:s18] =	ssyncset.done $0x0  }
.LBB2_2:
0x25: {  	s25 =	sadd.s32 s25, s26  }
0x26: {  	[sflag:s18] =	ssyncadd.s32 $0xFFFFC000;
	s26 =	smov.u32 s24;
	s28 =	sadd.s32 $0x10, s24  }
0x27: {  	[tilespmem:s3], [sflag:$0x2] =	stream.linear.gather [hbm4b:s25+s3], $0x80, $0x38;
	[tilespmem:$0x18100] =	vst v63  }
0x28: {  	p0 =	sne.s32 s24, $0x9C0;
	_ =	swait.ge [sflag:s18], $0x80  }
0x29: {  	[sflag:s18] =	ssyncset.done $0x0  }
0x2a: {  	s24 =	sadd.s32 s23, s14;
	s23 =	smov.u32 s26;
	[sflag:s18] =	ssyncadd.s32 $0xFFFFFF80  }
0x2b: {  	[tilespmem:s19], [sflag:$0x2] =	stream.linear.gather [hbm4b:s24+s3], $0x80, $0x38;
	[tilespmem:$0x18100] =	vst v63  }
0x2c: {  	_ =	swait.ge [sflag:s18], $0x80  }
0x2d: {  	[sflag:s18] =	ssyncset.done $0x0  }
0x2e: {  	[sflag:s18] =	ssyncadd.s32 $0xFFFFFF80  }
0x2f: {  	[tilespmem:s20], [sflag:$0x1] =	stream.indirect.gather [hbm4b:s6+s19], $0x80, s3, s19, $0xb8;
	[tilespmem:$0x18100] =	vst v63  }
0x30: {  	_ =	swait.ge [sflag:s21], $0x4000  }
.Ltmp0:
0x31: {  	[sflag:s21] =	ssyncset.done $0x0;
	(pc) =	sbr.rel @p0 .LBB2_2-.Ltmp0, $4  }
0x32: {  	s25 =	sadd.s32 s23, s13;
	s24 =	sadd.s32 s23, s4;
	[sflag:s21] =	ssyncadd.s32 $0xFFFFC000  }
0x33: {  	[spmem:s2] =	stream.indirect.scatter.add.f32 [tilespmem:s20], [sflag:$0x2], $0x80, s19, s19, $0xb8;
	[tilespmem:$0x18100] =	vst v63  }
0x34: {  	s25 =	sand.u32 $0x3FF80, s25;
	s24 =	sand.u32 $0x70, s24;
	_ =	swait.ge [sflag:s18], $0x4000  }
0x35: {  	s26 =	sadd.s32 s5, s24;
	s24 =	smov.u32 s28;
	[sflag:s18] =	ssyncset.done $0x0  }
0x36: {  	s24 =	sadd.s32 s25, s26;
	[sflag:s18] =	ssyncadd.s32 $0xFFFFC000  }
0x37: {  	[tilespmem:s3], [sflag:$0x2] =	stream.linear.gather [hbm4b:s24+s3], $0x80, $0x38;
	[tilespmem:$0x18100] =	vst v63  }
0x38: {  	_ =	swait.ge [sflag:s18], $0x80  }
0x39: {  	[sflag:s18] =	ssyncset.done $0x0  }
0x3a: {  	s23 =	sadd.s32 s23, s14;
	[sflag:s18] =	ssyncadd.s32 $0xFFFFFF80  }
0x3b: {  	[tilespmem:s19], [sflag:$0x2] =	stream.linear.gather [hbm4b:s23+s3], $0x80, $0x38;
	[tilespmem:$0x18100] =	vst v63  }
0x3c: {  	_ =	swait.ge [sflag:s18], $0x80  }
0x3d: {  	[sflag:s18] =	ssyncset.done $0x0  }
0x3e: {  	[sflag:s18] =	ssyncadd.s32 $0xFFFFFF80  }
0x3f: {  	[tilespmem:s20], [sflag:$0x1] =	stream.indirect.gather [hbm4b:s6+s19], $0x80, s3, s19, $0xb8;
	[tilespmem:$0x18100] =	vst v63  }
0x40: {  	_ =	swait.ge [sflag:s21], $0x4000  }
0x41: {  	[sflag:s21] =	ssyncset.done $0x0  }
0x42: {  	[sflag:s21] =	ssyncadd.s32 $0xFFFFC000  }
0x43: {  	[spmem:s2] =	stream.indirect.scatter.add.f32 [tilespmem:s20], [sflag:$0x2], $0x80, s19, s19, $0xb8;
	[tilespmem:$0x18100] =	vst v63  }
0x44: {  	_ =	swait.ge [sflag:s18], $0x4000  }
0x45: {  	[sflag:s18] =	ssyncset.done $0x0  }
0x46: {  	[sflag:s18] =	ssyncadd.s32 $0xFFFFC000  }
0x47: {  	[bflag:$0x0] =	sbarrier.arrive $0xFFFF  }
0x48: {  	[hbm:s9], [sflag:s8] =	dma.local [spmem:s17], $0x2800  }
0x49: {  	_ =	swait.ge [sflag:s18], $0x2800  }
0x4a: {  	[sflag:s18] =	ssyncset.done $0x0  }
0x4b: {  	[sflag:s18] =	ssyncadd.s32 $0xFFFFD800  }
0x4c: {  	[spmem:s17], [sflag:s8] =	dma.local [hbm:s7], $0x2800  }
0x4d: {  	s26 =	sadd.s32 $0x0, s4;
	_ =	swait.ge [sflag:s18], $0x2800  }
0x4e: {  	s28 =	sadd.s32 $0x0, s15;
	s23 =	sand.u32 $0x70, s26;
	[sflag:s18] =	ssyncset.done $0x0  }
0x4f: {  	s24 =	sand.u32 $0xFFFFF80, s28;
	s23 =	sadd.s32 s5, s23;
	[sflag:s18] =	ssyncadd.s32 $0xFFFFD800  }
0x50: {  	s23 =	sadd.s32 s24, s23;
	[bflag:$0x0] =	sbarrier.arrive $0xFFFF  }
0x51: {  	[tilespmem:s3], [sflag:$0x2] =	stream.linear.gather [hbm4b:s23+s3], $0x80, $0x38;
	[tilespmem:$0x18100] =	vst v63  }
0x52: {  	_ =	swait.ge [sflag:s18], $0x80  }
0x53: {  	[sflag:s18] =	ssyncset.done $0x0  }
0x54: {  	s29 =	sadd.s32 $0x0, s14;
	[sflag:s18] =	ssyncadd.s32 $0xFFFFFF80  }
0x55: {  	[tilespmem:s19], [sflag:$0x2] =	stream.linear.gather [hbm4b:s29+s3], $0x80, $0x38;
	[tilespmem:$0x18100] =	vst v63  }
0x56: {  	_ =	swait.ge [sflag:s18], $0x80  }
0x57: {  	[sflag:s18] =	ssyncset.done $0x0  }
0x58: {  	[sflag:s18] =	ssyncadd.s32 $0xFFFFFF80  }
0x59: {  	[tilespmem:s20], [sflag:$0x1] =	stream.indirect.gather [hbm4b:s6+s19], $0x80, s3, s19, $0xb8;
	[tilespmem:$0x18100] =	vst v63  }
0x5a: {  	_ =	swait.ge [sflag:s21], $0x4000  }
0x5b: {  	s30 =	sadd.s32 $0x10, s4;
	[sflag:s21] =	ssyncset.done $0x0  }
0x5c: {  	s31 =	sadd.s32 $0x10, s15;
	s28 =	sand.u32 $0x70, s30;
	[sflag:s21] =	ssyncadd.s32 $0xFFFFC000  }
0x5d: {  	[spmem:s2] =	stream.indirect.scatter.add.f32 [tilespmem:s20], [sflag:$0x2], $0x80, s19, s19, $0xb8;
	[tilespmem:$0x18100] =	vst v63  }
0x5e: {  	s25 =	sand.u32 $0xFFFFF80, s31;
	s26 =	sadd.s32 s5, s28;
	_ =	swait.ge [sflag:s18], $0x4000  }
0x5f: {  	s24 =	simm.s32 $0x20;
	s23 =	simm.s32 $0x10;
	[sflag:s18] =	ssyncset.done $0x0  }
.LBB2_4:
0x60: {  	s25 =	sadd.s32 s25, s26  }
0x61: {  	[sflag:s18] =	ssyncadd.s32 $0xFFFFC000;
	s26 =	smov.u32 s24;
	s28 =	sadd.s32 $0x10, s24  }
0x62: {  	[tilespmem:s3], [sflag:$0x2] =	stream.linear.gather [hbm4b:s25+s3], $0x80, $0x38;
	[tilespmem:$0x18100] =	vst v63  }
0x63: {  	p0 =	sne.s32 s24, $0x9C0;
	_ =	swait.ge [sflag:s18], $0x80  }
0x64: {  	[sflag:s18] =	ssyncset.done $0x0  }
0x65: {  	s24 =	sadd.s32 s23, s14;
	s23 =	smov.u32 s26;
	[sflag:s18] =	ssyncadd.s32 $0xFFFFFF80  }
0x66: {  	[tilespmem:s19], [sflag:$0x2] =	stream.linear.gather [hbm4b:s24+s3], $0x80, $0x38;
	[tilespmem:$0x18100] =	vst v63  }
0x67: {  	_ =	swait.ge [sflag:s18], $0x80  }
0x68: {  	[sflag:s18] =	ssyncset.done $0x0  }
0x69: {  	[sflag:s18] =	ssyncadd.s32 $0xFFFFFF80  }
0x6a: {  	[tilespmem:s20], [sflag:$0x1] =	stream.indirect.gather [hbm4b:s6+s19], $0x80, s3, s19, $0xb8;
	[tilespmem:$0x18100] =	vst v63  }
0x6b: {  	_ =	swait.ge [sflag:s21], $0x4000  }
.Ltmp1:
0x6c: {  	[sflag:s21] =	ssyncset.done $0x0;
	(pc) =	sbr.rel @p0 .LBB2_4-.Ltmp1, $4  }
0x6d: {  	s25 =	sadd.s32 s23, s15;
	s24 =	sadd.s32 s23, s4;
	[sflag:s21] =	ssyncadd.s32 $0xFFFFC000  }
0x6e: {  	[spmem:s2] =	stream.indirect.scatter.add.f32 [tilespmem:s20], [sflag:$0x2], $0x80, s19, s19, $0xb8;
	[tilespmem:$0x18100] =	vst v63  }
0x6f: {  	s25 =	sand.u32 $0xFFFFF80, s25;
	s24 =	sand.u32 $0x70, s24;
	_ =	swait.ge [sflag:s18], $0x4000  }
0x70: {  	s26 =	sadd.s32 s5, s24;
	s24 =	smov.u32 s28;
	[sflag:s18] =	ssyncset.done $0x0  }
0x71: {  	s24 =	sadd.s32 s25, s26;
	[sflag:s18] =	ssyncadd.s32 $0xFFFFC000  }
0x72: {  	[tilespmem:s3], [sflag:$0x2] =	stream.linear.gather [hbm4b:s24+s3], $0x80, $0x38;
	[tilespmem:$0x18100] =	vst v63  }
0x73: {  	_ =	swait.ge [sflag:s18], $0x80  }
0x74: {  	[sflag:s18] =	ssyncset.done $0x0  }
0x75: {  	s23 =	sadd.s32 s23, s14;
	[sflag:s18] =	ssyncadd.s32 $0xFFFFFF80  }
0x76: {  	[tilespmem:s19], [sflag:$0x2] =	stream.linear.gather [hbm4b:s23+s3], $0x80, $0x38;
	[tilespmem:$0x18100] =	vst v63  }
0x77: {  	_ =	swait.ge [sflag:s18], $0x80  }
0x78: {  	[sflag:s18] =	ssyncset.done $0x0  }
0x79: {  	[sflag:s18] =	ssyncadd.s32 $0xFFFFFF80  }
0x7a: {  	[tilespmem:s20], [sflag:$0x1] =	stream.indirect.gather [hbm4b:s6+s19], $0x80, s3, s19, $0xb8;
	[tilespmem:$0x18100] =	vst v63  }
0x7b: {  	_ =	swait.ge [sflag:s21], $0x4000  }
0x7c: {  	[sflag:s21] =	ssyncset.done $0x0  }
0x7d: {  	[sflag:s21] =	ssyncadd.s32 $0xFFFFC000  }
0x7e: {  	[spmem:s2] =	stream.indirect.scatter.add.f32 [tilespmem:s20], [sflag:$0x2], $0x80, s19, s19, $0xb8;
	[tilespmem:$0x18100] =	vst v63  }
0x7f: {  	_ =	swait.ge [sflag:s18], $0x4000  }
0x80: {  	[sflag:s18] =	ssyncset.done $0x0  }
0x81: {  	[sflag:s18] =	ssyncadd.s32 $0xFFFFC000  }
0x82: {  	[bflag:$0x0] =	sbarrier.arrive $0xFFFF  }
0x83: {  	[hbm:s10], [sflag:s8] =	dma.local [spmem:s17], $0x2800  }
0x84: {  	_ =	swait.ge [sflag:s18], $0x2800  }
0x85: {  	[sflag:s18] =	ssyncset.done $0x0  }
0x86: {  	[sflag:s18] =	ssyncadd.s32 $0xFFFFD800  }
0x87: {  	[spmem:s17], [sflag:s8] =	dma.local [hbm:s7], $0x2800  }
0x88: {  	s26 =	sadd.s32 $0x0, s4;
	_ =	swait.ge [sflag:s18], $0x2800  }
0x89: {  	s28 =	sadd.s32 $0x0, s16;
	s23 =	sand.u32 $0x70, s26;
	[sflag:s18] =	ssyncset.done $0x0  }
0x8a: {  	s24 =	sand.u32 $0xFFFFF80, s28;
	s23 =	sadd.s32 s5, s23;
	[sflag:s18] =	ssyncadd.s32 $0xFFFFD800  }
0x8b: {  	s23 =	sadd.s32 s24, s23;
	[bflag:$0x0] =	sbarrier.arrive $0xFFFF  }
0x8c: {  	[tilespmem:s3], [sflag:$0x2] =	stream.linear.gather [hbm4b:s23+s3], $0x80, $0x38;
	[tilespmem:$0x18100] =	vst v63  }
0x8d: {  	_ =	swait.ge [sflag:s18], $0x80  }
0x8e: {  	[sflag:s18] =	ssyncset.done $0x0  }
0x8f: {  	s29 =	sadd.s32 $0x0, s14;
	[sflag:s18] =	ssyncadd.s32 $0xFFFFFF80  }
0x90: {  	[tilespmem:s19], [sflag:$0x2] =	stream.linear.gather [hbm4b:s29+s3], $0x80, $0x38;
	[tilespmem:$0x18100] =	vst v63  }
0x91: {  	_ =	swait.ge [sflag:s18], $0x80  }
0x92: {  	[sflag:s18] =	ssyncset.done $0x0  }
0x93: {  	[sflag:s18] =	ssyncadd.s32 $0xFFFFFF80  }
0x94: {  	[tilespmem:s20], [sflag:$0x1] =	stream.indirect.gather [hbm4b:s6+s19], $0x80, s3, s19, $0xb8;
	[tilespmem:$0x18100] =	vst v63  }
0x95: {  	_ =	swait.ge [sflag:s21], $0x4000  }
0x96: {  	s30 =	sadd.s32 $0x10, s4;
	[sflag:s21] =	ssyncset.done $0x0  }
0x97: {  	s31 =	sadd.s32 $0x10, s16;
	s28 =	sand.u32 $0x70, s30;
	[sflag:s21] =	ssyncadd.s32 $0xFFFFC000  }
0x98: {  	[spmem:s2] =	stream.indirect.scatter.add.f32 [tilespmem:s20], [sflag:$0x2], $0x80, s19, s19, $0xb8;
	[tilespmem:$0x18100] =	vst v63  }
0x99: {  	s25 =	sand.u32 $0xFFFFF80, s31;
	s26 =	sadd.s32 s5, s28;
	_ =	swait.ge [sflag:s18], $0x4000  }
0x9a: {  	s24 =	simm.s32 $0x20;
	s23 =	simm.s32 $0x10;
	[sflag:s18] =	ssyncset.done $0x0  }
.LBB2_6:
0x9b: {  	s25 =	sadd.s32 s25, s26  }
0x9c: {  	[sflag:s18] =	ssyncadd.s32 $0xFFFFC000;
	s26 =	smov.u32 s24;
	s28 =	sadd.s32 $0x10, s24  }
0x9d: {  	[tilespmem:s3], [sflag:$0x2] =	stream.linear.gather [hbm4b:s25+s3], $0x80, $0x38;
	[tilespmem:$0x18100] =	vst v63  }
0x9e: {  	p0 =	sne.s32 s24, $0x9C0;
	_ =	swait.ge [sflag:s18], $0x80  }
0x9f: {  	[sflag:s18] =	ssyncset.done $0x0  }
0xa0: {  	s24 =	sadd.s32 s23, s14;
	s23 =	smov.u32 s26;
	[sflag:s18] =	ssyncadd.s32 $0xFFFFFF80  }
0xa1: {  	[tilespmem:s19], [sflag:$0x2] =	stream.linear.gather [hbm4b:s24+s3], $0x80, $0x38;
	[tilespmem:$0x18100] =	vst v63  }
0xa2: {  	_ =	swait.ge [sflag:s18], $0x80  }
0xa3: {  	[sflag:s18] =	ssyncset.done $0x0  }
0xa4: {  	[sflag:s18] =	ssyncadd.s32 $0xFFFFFF80  }
0xa5: {  	[tilespmem:s20], [sflag:$0x1] =	stream.indirect.gather [hbm4b:s6+s19], $0x80, s3, s19, $0xb8;
	[tilespmem:$0x18100] =	vst v63  }
0xa6: {  	_ =	swait.ge [sflag:s21], $0x4000  }
.Ltmp2:
0xa7: {  	[sflag:s21] =	ssyncset.done $0x0;
	(pc) =	sbr.rel @p0 .LBB2_6-.Ltmp2, $4  }
0xa8: {  	s25 =	sadd.s32 s23, s16;
	s24 =	sadd.s32 s23, s4;
	[sflag:s21] =	ssyncadd.s32 $0xFFFFC000  }
0xa9: {  	[spmem:s2] =	stream.indirect.scatter.add.f32 [tilespmem:s20], [sflag:$0x2], $0x80, s19, s19, $0xb8;
	[tilespmem:$0x18100] =	vst v63  }
0xaa: {  	s25 =	sand.u32 $0xFFFFF80, s25;
	s24 =	sand.u32 $0x70, s24;
	_ =	swait.ge [sflag:s18], $0x4000  }
0xab: {  	s26 =	sadd.s32 s5, s24;
	s24 =	smov.u32 s28;
	[sflag:s18] =	ssyncset.done $0x0  }
0xac: {  	s24 =	sadd.s32 s25, s26;
	[sflag:s18] =	ssyncadd.s32 $0xFFFFC000  }
0xad: {  	[tilespmem:s3], [sflag:$0x2] =	stream.linear.gather [hbm4b:s24+s3], $0x80, $0x38;
	[tilespmem:$0x18100] =	vst v63  }
0xae: {  	_ =	swait.ge [sflag:s18], $0x80  }
0xaf: {  	[sflag:s18] =	ssyncset.done $0x0  }
0xb0: {  	s23 =	sadd.s32 s23, s14;
	[sflag:s18] =	ssyncadd.s32 $0xFFFFFF80  }
0xb1: {  	[tilespmem:s19], [sflag:$0x2] =	stream.linear.gather [hbm4b:s23+s3], $0x80, $0x38;
	[tilespmem:$0x18100] =	vst v63  }
0xb2: {  	_ =	swait.ge [sflag:s18], $0x80  }
0xb3: {  	[sflag:s18] =	ssyncset.done $0x0  }
0xb4: {  	[sflag:s18] =	ssyncadd.s32 $0xFFFFFF80  }
0xb5: {  	[tilespmem:s20], [sflag:$0x1] =	stream.indirect.gather [hbm4b:s6+s19], $0x80, s3, s19, $0xb8;
	[tilespmem:$0x18100] =	vst v63  }
0xb6: {  	_ =	swait.ge [sflag:s21], $0x4000  }
0xb7: {  	[sflag:s21] =	ssyncset.done $0x0  }
0xb8: {  	[sflag:s21] =	ssyncadd.s32 $0xFFFFC000  }
0xb9: {  	[spmem:s2] =	stream.indirect.scatter.add.f32 [tilespmem:s20], [sflag:$0x2], $0x80, s19, s19, $0xb8;
	[tilespmem:$0x18100] =	vst v63  }
0xba: {  	_ =	swait.ge [sflag:s18], $0x4000  }
0xbb: {  	s22 =	sadd.s32 $0x1, s22;
	[sflag:s18] =	ssyncset.done $0x0  }
0xbc: {  	p0 =	sne.s32 s22, s12;
	[sflag:s18] =	ssyncadd.s32 $0xFFFFC000  }
.Ltmp3:
0xbd: {  	[bflag:$0x0] =	sbarrier.arrive $0xFFFF;
	(pc) =	sbr.rel @p0 .LBB2_1-.Ltmp3, $4  }
0xbe: {  	[hbm:s11], [sflag:s8] =	dma.local [spmem:s17], $0x2800  }
0xbf: {  	_ =	swait.ge [sflag:s18], $0x2800  }
0xc0: {  	[sflag:s18] =	ssyncset.done $0x0  }
0xc1: {  	[sflag:s18] =	ssyncadd.s32 $0xFFFFD800  }
0xc2: {  	_ =	sfence.sel $0x180000  }
0xc3: {  	[bflag:$0x0] =	sbarrier.arrive $0xFFFF  }
0xc4: {  	p0 =	sne.s32 s1, $0x0;
	_ =	strace $0x9000004A  }
0xc5: {  	s0 =	sadd.s32 @!p0 $0x100000, s0;
	[bflag:$0x2] =	sbarrier.arrive $0xFFFF  }
0xc6: {  	[sflag:s0] =	ssyncadd.tile.s32 @!p0 $0x1;
	_ =	shalt  }
.Lfunc_end2:
_tile_overlayer_lowered:
.L_overlay_start_2:
0xc7: {  	(tag) =	ssettag $0x2  }
0xc8: {  	s0 =	rddreg [dreg:$0x0];
	s2 =	stileid.u32  }
0xc9: {  	s1 =	rddreg [dreg:$0x1];
	p0 =	sne.s32 s2, $0x0  }
0xca: {  	s3 =	rddreg [dreg:$0x2];
	[bflag:$0x3] =	sbarrier.arrive $0xFFFF;
	s2 =	simm.s32 @!p0 $0x1C02  }
0xcb: {  	[timem:s3], [sflag:s2] =	dma.local @!p0 [hbm:s0], s1  }
0xcc: {  	s0 =	simm.s32 @!p0 $0x2  }
0xcd: {  	_ =	swait.ge @!p0 [sflag:s0], s1  }
0xce: {  	s1 =	ssub.s32 @!p0 $0x0, s1;
	[sflag:s0] =	ssyncset.done @!p0 $0x0  }
0xcf: {  	[sflag:s0] =	ssyncadd.s32 @!p0 s1  }
0xd0: {  	[bflag:$0x3] =	sbarrier.arrive $0xFFFF  }
0xd1: {  	_ =	shalt  }

</sc_bundles>
